<compile_context>
chip_gen: v7x
topology: tpu7x:2x2x1
jax: 0.10.2.dev20260603
libtpu: 0.0.44.dev20260713+nightly
codegen_flags: <defaults>
</compile_context>

<pallas_src>
import functools

import jax
import jax.numpy as jnp
from jax import lax
from jax.experimental import pallas as pl
from jax.experimental.pallas import tpu as pltpu
from jax.experimental.pallas import tpu_sc as plsc

N_NODES = 10000
D_FEAT = 128
D_EDGE = 16
NUM_GRAPHS = 64

NC = 2
NS = 16
NW = NC * NS
EDGE_WIN = 80


def _sc_segment_sums(x, src, dst, edge_attr):
    e = src.shape[0]
    n = x.shape[0]
    ew = e // NW
    nwin = ew // EDGE_WIN
    npad = ((n + 8 * NS - 1) // (8 * NS)) * 8 * NS
    rows_pt = npad // NS
    epr = 128 // D_EDGE
    wrows = EDGE_WIN // epr
    wrows_pad = 16
    orows = npad * D_EDGE // 128

    srcr = src.reshape(NW, nwin, EDGE_WIN)
    dstr = dst.reshape(NW, nwin, EDGE_WIN)
    eap = jnp.pad(edge_attr.reshape(NW * nwin, EDGE_WIN * D_EDGE),
                  ((0, 0), (0, (wrows_pad - wrows) * 128))).reshape(-1, 128)
    z1 = jnp.zeros((rows_pt, D_FEAT), jnp.float32)

    mesh = plsc.VectorSubcoreMesh(
        core_axis_name="c", subcore_axis_name="s", num_cores=NC,
        num_subcores=NS)

    @functools.partial(
        pl.kernel,
        out_type=jax.ShapeDtypeStruct((NC * npad, D_FEAT), jnp.float32),
        mesh=mesh,
        scratch_types=(
            pltpu.VMEM((nwin, EDGE_WIN), jnp.int32),
            pltpu.VMEM((nwin, EDGE_WIN), jnp.int32),
            pltpu.VMEM((EDGE_WIN, D_FEAT), jnp.float32),
            pltpu.VMEM_SHARED((npad, D_FEAT), jnp.float32),
            pltpu.SemaphoreType.DMA,
        ),
    )
    def sc_gather_kernel(x_hbm, srcr_hbm, dstr_hbm, z1_hbm, agg1_hbm,
                         src_v, dst_v, rows_v, acc1, sem):
        c = lax.axis_index("c")
        s = lax.axis_index("s")
        wid = c * NS + s
        row0 = s * rows_pt
        pltpu.sync_copy(z1_hbm, acc1.at[pl.ds(row0, rows_pt)])
        pltpu.sync_copy(srcr_hbm.at[wid], src_v)
        pltpu.sync_copy(dstr_hbm.at[wid], dst_v)
        plsc.subcore_barrier()

        def win(j, carry):
            pltpu.async_copy(x_hbm.at[src_v.at[j]], rows_v, sem).wait()
            pltpu.sync_copy(rows_v, acc1.at[dst_v.at[j]], add=True)
            return carry

        lax.fori_loop(0, nwin, win, 0)
        plsc.subcore_barrier()
        pltpu.sync_copy(acc1.at[pl.ds(row0, rows_pt)],
                        agg1_hbm.at[pl.ds(c * npad + row0, rows_pt)])

    nw16 = npad * D_EDGE // NS
    zlen = EDGE_WIN * D_EDGE

    @functools.partial(
        pl.kernel,
        out_type=jax.ShapeDtypeStruct((NC * npad * D_EDGE,), jnp.float32),
        mesh=mesh,
        scratch_types=(
            pltpu.VMEM((wrows_pad, 128), jnp.float32),
            pltpu.VMEM((wrows_pad, 128), jnp.int32),
            pltpu.VMEM((16,), jnp.int32),
            pltpu.VMEM((zlen,), jnp.float32),
            pltpu.VMEM_SHARED((npad * D_EDGE,), jnp.float32),
            pltpu.SemaphoreType.DMA,
            pltpu.SemaphoreType.DMA,
        ),
    )
    def sc_edge_kernel(eap_hbm, widxp_hbm, agg2_hbm,
                       w128_v, widx_v, idx16_v, zbuf_v, acc2, sem, sem2):
        c = lax.axis_index("c")
        s = lax.axis_index("s")
        wid = c * NS + s
        row0w = s * nw16
        zv = jnp.zeros((16,), jnp.float32)
        for q in range(zlen // 16):
            zbuf_v[pl.ds(16 * q, 16)] = zv
        nfull = nw16 // zlen
        for k in range(nfull):
            pltpu.sync_copy(zbuf_v, acc2.at[pl.ds(row0w + k * zlen, zlen)])
        rem = nw16 - nfull * zlen
        if rem:
            pltpu.sync_copy(zbuf_v.at[pl.ds(0, rem)],
                            acc2.at[pl.ds(row0w + nfull * zlen, rem)])
        plsc.subcore_barrier()

        iota16 = lax.broadcasted_iota(jnp.int32, (16,), 0)

        def win(j, carry):
            base = (wid * nwin + j) * wrows_pad
            idx16_v[...] = iota16 + base
            cp1 = pltpu.async_copy(eap_hbm.at[idx16_v], w128_v, sem)
            cp2 = pltpu.async_copy(widxp_hbm.at[idx16_v], widx_v, sem2)
            cp1.wait()
            cp2.wait()
            descs = []
            for g in range(wrows):
                descs.append(pltpu.async_copy(
                    w128_v.at[g], acc2.at[widx_v.at[g]], sem, add=True))
            for d in descs:
                d.wait()
            return carry

        lax.fori_loop(0, nwin, win, 0)
        plsc.subcore_barrier()
        pltpu.sync_copy(acc2.at[pl.ds(row0w, nw16)],
                        agg2_hbm.at[pl.ds(c * npad * D_EDGE + row0w, nw16)])

    widx = (dst[:, None] * D_EDGE
            + jnp.arange(D_EDGE, dtype=jnp.int32)[None, :])
    widxp = jnp.pad(widx.reshape(NW * nwin, EDGE_WIN * D_EDGE),
                    ((0, 0), (0, (wrows_pad - wrows) * 128))).reshape(-1, 128)
    agg1 = sc_gather_kernel(x, srcr, dstr, z1)
    agg2 = sc_edge_kernel(eap, widxp)
    return agg1, agg2.reshape(NC * npad, D_EDGE)


def _tc_dense(x, e1a, e1b, e2a, e2b, batch, W_edge, W_emb, b_emb, W_cls,
              b_cls):
    n = x.shape[0]
    tasks = W_cls.shape[1]
    blk = 1000
    nblk = n // blk
    batr = batch.reshape(nblk, 1, blk)

    def body(x_ref, e1a_ref, e1b_ref, e2a_ref, e2b_ref, bat_ref, we_ref,
             wm_ref, bm_ref, wc_ref, bc_ref, out_ref, sums_ref, cnts_ref):
        i = pl.program_id(0)

        @pl.when(i == 0)
        def _():
            sums_ref[...] = jnp.zeros_like(sums_ref)
            cnts_ref[...] = jnp.zeros_like(cnts_ref)

        e2 = e2a_ref[...] + e2b_ref[...]
        t = (x_ref[...] + e1a_ref[...] + e1b_ref[...]
             + jnp.dot(e2, we_ref[...], preferred_element_type=jnp.float32))
        h = jnp.maximum(
            jnp.dot(t, wm_ref[...], preferred_element_type=jnp.float32)
            + bm_ref[...], 0.0)
        bat = bat_ref[0]
        ind = (lax.broadcasted_iota(jnp.int32, (NUM_GRAPHS, blk), 0)
               == bat).astype(jnp.float32)
        sums_ref[...] += jnp.dot(ind, h, preferred_element_type=jnp.float32)
        cnts_ref[...] += jnp.sum(ind, axis=1, keepdims=True)

        @pl.when(i == pl.num_programs(0) - 1)
        def _():
            pooled = sums_ref[...] / jnp.maximum(cnts_ref[...], 1.0)
            out_ref[...] = (
                jnp.dot(pooled, wc_ref[...],
                        preferred_element_type=jnp.float32) + bc_ref[...])

    node_spec = pl.BlockSpec((blk, D_FEAT), lambda i: (i, 0))
    full = lambda shape: pl.BlockSpec(shape, lambda i: tuple(0 for _ in shape))
    return pl.pallas_call(
        body,
        grid=(nblk,),
        in_specs=[
            node_spec, node_spec, node_spec,
            pl.BlockSpec((blk, D_EDGE), lambda i: (i, 0)),
            pl.BlockSpec((blk, D_EDGE), lambda i: (i, 0)),
            pl.BlockSpec((1, 1, blk), lambda i: (i, 0, 0)),
            full((D_EDGE, D_FEAT)),
            full((D_FEAT, D_FEAT)),
            full((1, D_FEAT)),
            full((D_FEAT, tasks)),
            full((1, tasks)),
        ],
        out_specs=pl.BlockSpec((NUM_GRAPHS, tasks), lambda i: (0, 0)),
        out_shape=jax.ShapeDtypeStruct((NUM_GRAPHS, tasks), jnp.float32),
        scratch_shapes=[
            pltpu.VMEM((NUM_GRAPHS, D_FEAT), jnp.float32),
            pltpu.VMEM((NUM_GRAPHS, 1), jnp.float32),
        ],
    )(x, e1a, e1b, e2a, e2b, batr, W_edge, W_emb, b_emb.reshape(1, D_FEAT),
      W_cls, b_cls.reshape(1, tasks))


def kernel(x, edge_index, edge_attr, batch, W_edge, W_emb, b_emb, W_cls,
           b_cls):
    src = edge_index[0]
    dst = edge_index[1]
    agg1, agg2 = _sc_segment_sums(x, src, dst, edge_attr)
    n = x.shape[0]
    npad = agg1.shape[0] // NC
    return _tc_dense(x, agg1[:n], agg1[npad:npad + n], agg2[:n],
                     agg2[npad:npad + n], batch, W_edge, W_emb, b_emb,
                     W_cls, b_cls)

# --- scband reference (transcript-rebuilt; emitter-appended) ---
"""Pipeline reference for scband-graph-classifier-88046829568185 (READ-ONLY COPY).

The authoritative reference and input builder live on the scoring server;
editing this copy changes nothing except your own understanding.
"""

import jax, jax.numpy as jnp
import numpy as np

N_NODES = 10000
N_EDGES = 320000
D_FEAT = 128
D_EDGE = 16
NUM_GRAPHS = 64
NUM_TASKS = 10


def setup_inputs(seed: int = 0) -> dict:
    key = jax.random.key(seed)
    ks = jax.random.split(key, 10)
    x = jax.random.normal(ks[0], (N_NODES, D_FEAT), dtype=jnp.float32)
    edge_index = jax.random.randint(ks[1], (2, N_EDGES), 0, N_NODES, dtype=jnp.int32)
    edge_attr = jax.random.normal(ks[2], (N_EDGES, D_EDGE), dtype=jnp.float32)
    batch = jnp.sort(jax.random.randint(ks[3], (N_NODES,), 0, NUM_GRAPHS, dtype=jnp.int32))
    # embedding_model parameters (single GIN-style layer, JK='last', num_layer=1)
    W_edge = jax.random.normal(ks[4], (D_EDGE, D_FEAT), dtype=jnp.float32) * 0.05
    W_emb = jax.random.normal(ks[5], (D_FEAT, D_FEAT), dtype=jnp.float32) * 0.05
    b_emb = jnp.zeros((D_FEAT,), dtype=jnp.float32)
    # classifier parameters (mult=1, JK='last' -> Linear(emb_dim, num_tasks))
    W_cls = jax.random.normal(ks[6], (D_FEAT, NUM_TASKS), dtype=jnp.float32) * 0.05
    b_cls = jnp.zeros((NUM_TASKS,), dtype=jnp.float32)
    return {
        "x": x,
        "edge_index": edge_index,
        "edge_attr": edge_attr,
        "batch": batch,
        "W_edge": W_edge,
        "W_emb": W_emb,
        "b_emb": b_emb,
        "W_cls": W_cls,
        "b_cls": b_cls,
    }


def reference(x, edge_index, edge_attr, batch, W_edge, W_emb, b_emb, W_cls, b_cls):
    # embedding_model(x, edge_index, edge_attr): one message-passing layer
    src = edge_index[0]
    dst = edge_index[1]
    msg = jnp.take(x, src, axis=0) + edge_attr @ W_edge          # gather + edge feature mix
    agg = jax.ops.segment_sum(msg, dst, num_segments=x.shape[0])  # scatter-add to nodes
    h = jax.nn.relu((x + agg) @ W_emb + b_emb)                    # node embeddings [N, emb_dim]
    # self.pool = global_mean_pool: per-graph mean over batch assignment
    sums = jax.ops.segment_sum(h, batch, num_segments=NUM_GRAPHS)
    counts = jax.ops.segment_sum(jnp.ones((x.shape[0], 1), dtype=h.dtype), batch, num_segments=NUM_GRAPHS)
    pooled = sums / jnp.clip(counts, 1.0, None)                   # [num_graphs, emb_dim]
    # self.classifier(pool_x)
    return pooled @ W_cls + b_cls                                 # [num_graphs, num_tasks]

if __name__ == "__main__":
    import jax
    _d = setup_inputs()
    print(jax.jit(kernel)(*tuple(_d.values())))

</pallas_src>

<mosaic_0001>
#map = affine_map<(d0, d1) -> (0, 0)>
#map1 = affine_map<(d0, d1) -> (0, 0, 0)>
module attributes {stable_mosaic.version = 14 : i64} {
  func.func @sc_gather_kernel(%arg0: i32, %arg1: i32, %arg2: memref<10000x128xf32, #tpu.memory_space<hbm>>, %arg3: memref<32x125x80xi32, #tpu.memory_space<hbm>>, %arg4: memref<32x125x80xi32, #tpu.memory_space<hbm>>, %arg5: memref<632x128xf32, #tpu.memory_space<hbm>>, %arg6: memref<20224x128xf32, #tpu.memory_space<hbm>>, %arg7: memref<125x80xi32, #tpu.memory_space<vmem>>, %arg8: memref<125x80xi32, #tpu.memory_space<vmem>>, %arg9: memref<80x128xf32, #tpu.memory_space<vmem>>, %arg10: memref<10112x128xf32, #tpu.memory_space<vmem_shared>>, %arg11: memref<!tpu.dma_semaphore, #tpu.memory_space<semaphore_mem>>) attributes {dimension_semantics = [#tpu.dimension_semantics<core_parallel>, #tpu.dimension_semantics<subcore_parallel>], iteration_bounds = array<i64: 2, 16>, scalar_prefetch = 0 : i64, scratch_operands = 5 : i64, tpu.core_type = #tpu.core_type<sc_vector_subcore>, window_params = [{transform_indices = #map}, {transform_indices = #map1}, {transform_indices = #map1}, {transform_indices = #map}, {transform_indices = #map}]} {
    %mul3A = arith.constant 16 : i32
    %mul3A_0 = arith.muli %arg0, %mul3A : i32
    %add3A = arith.addi %mul3A_0, %arg1 : i32
    %mul3A_1 = arith.constant 632 : i32
    %mul3A_2 = arith.muli %arg1, %mul3A_1 : i32
    "tpu.region"() ({
      %run_scoped3A = tpu.sem_alloc : memref<!tpu.dma_semaphore, #tpu.memory_space<semaphore_mem>>
      %dma_start3A = arith.constant 0 : i32
      %dma_start3A_12 = tpu.memref_slice %arg10[%mul3A_2, %dma_start3A] : memref<10112x128xf32, #tpu.memory_space<vmem_shared>> -> memref<632x128xf32, #tpu.memory_space<vmem_shared>>
      tpu.enqueue_dma source(%arg5 : memref<632x128xf32, #tpu.memory_space<hbm>>) target(%dma_start3A_12 : memref<632x128xf32, #tpu.memory_space<vmem_shared>>) target_semaphore(%run_scoped3A : memref<!tpu.dma_semaphore, #tpu.memory_space<semaphore_mem>>)
      %dma_wait3A = arith.constant 0 : i32
      %dma_wait3A_13 = tpu.memref_slice %arg10[%mul3A_2, %dma_wait3A] : memref<10112x128xf32, #tpu.memory_space<vmem_shared>> -> memref<632x128xf32, #tpu.memory_space<vmem_shared>>
      tpu.wait_dma2 semaphore(%run_scoped3A : memref<!tpu.dma_semaphore, #tpu.memory_space<semaphore_mem>>) src(%arg5 : memref<632x128xf32, #tpu.memory_space<hbm>>) dst(%dma_wait3A_13 : memref<632x128xf32, #tpu.memory_space<vmem_shared>>)
      tpu.yield
    }) : () -> ()
    "tpu.region"() ({
      %run_scoped3A = tpu.sem_alloc : memref<!tpu.dma_semaphore, #tpu.memory_space<semaphore_mem>>
      %dma_start3A = arith.constant 0 : i32
      %dma_start3A_12 = arith.constant 0 : i32
      %dma_start3A_13 = tpu.memref_slice %arg3[%add3A, %dma_start3A, %dma_start3A_12] : memref<32x125x80xi32, #tpu.memory_space<hbm>> -> memref<1x125x80xi32, #tpu.memory_space<hbm>>
      %dma_start3A_14 = tpu.memref_squeeze %dma_start3A_13 : memref<1x125x80xi32, #tpu.memory_space<hbm>> -> memref<125x80xi32, #tpu.memory_space<hbm>>
      %dma_start3A_15 = arith.constant 0 : i32
      %dma_start3A_16 = arith.constant 0 : i32
      %dma_start3A_17 = tpu.memref_slice %arg3[%add3A, %dma_start3A_15, %dma_start3A_16] : memref<32x125x80xi32, #tpu.memory_space<hbm>> -> memref<1x125x80xi32, #tpu.memory_space<hbm>>
      %dma_start3A_18 = tpu.memref_squeeze %dma_start3A_17 : memref<1x125x80xi32, #tpu.memory_space<hbm>> -> memref<125x80xi32, #tpu.memory_space<hbm>>
      tpu.enqueue_dma source(%dma_start3A_18 : memref<125x80xi32, #tpu.memory_space<hbm>>) target(%arg7 : memref<125x80xi32, #tpu.memory_space<vmem>>) target_semaphore(%run_scoped3A : memref<!tpu.dma_semaphore, #tpu.memory_space<semaphore_mem>>)
      %dma_wait3A = arith.constant 0 : i32
      %dma_wait3A_19 = arith.constant 0 : i32
      %dma_wait3A_20 = tpu.memref_slice %arg3[%add3A, %dma_wait3A, %dma_wait3A_19] : memref<32x125x80xi32, #tpu.memory_space<hbm>> -> memref<1x125x80xi32, #tpu.memory_space<hbm>>
      %dma_wait3A_21 = tpu.memref_squeeze %dma_wait3A_20 : memref<1x125x80xi32, #tpu.memory_space<hbm>> -> memref<125x80xi32, #tpu.memory_space<hbm>>
      %dma_wait3A_22 = arith.constant 0 : i32
      %dma_wait3A_23 = arith.constant 0 : i32
      %dma_wait3A_24 = tpu.memref_slice %arg3[%add3A, %dma_wait3A_22, %dma_wait3A_23] : memref<32x125x80xi32, #tpu.memory_space<hbm>> -> memref<1x125x80xi32, #tpu.memory_space<hbm>>
      %dma_wait3A_25 = tpu.memref_squeeze %dma_wait3A_24 : memref<1x125x80xi32, #tpu.memory_space<hbm>> -> memref<125x80xi32, #tpu.memory_space<hbm>>
      tpu.wait_dma2 semaphore(%run_scoped3A : memref<!tpu.dma_semaphore, #tpu.memory_space<semaphore_mem>>) src(%dma_wait3A_25 : memref<125x80xi32, #tpu.memory_space<hbm>>) dst(%arg7 : memref<125x80xi32, #tpu.memory_space<vmem>>)
      tpu.yield
    }) : () -> ()
    "tpu.region"() ({
      %run_scoped3A = tpu.sem_alloc : memref<!tpu.dma_semaphore, #tpu.memory_space<semaphore_mem>>
      %dma_start3A = arith.constant 0 : i32
      %dma_start3A_12 = arith.constant 0 : i32
      %dma_start3A_13 = tpu.memref_slice %arg4[%add3A, %dma_start3A, %dma_start3A_12] : memref<32x125x80xi32, #tpu.memory_space<hbm>> -> memref<1x125x80xi32, #tpu.memory_space<hbm>>
      %dma_start3A_14 = tpu.memref_squeeze %dma_start3A_13 : memref<1x125x80xi32, #tpu.memory_space<hbm>> -> memref<125x80xi32, #tpu.memory_space<hbm>>
      %dma_start3A_15 = arith.constant 0 : i32
      %dma_start3A_16 = arith.constant 0 : i32
      %dma_start3A_17 = tpu.memref_slice %arg4[%add3A, %dma_start3A_15, %dma_start3A_16] : memref<32x125x80xi32, #tpu.memory_space<hbm>> -> memref<1x125x80xi32, #tpu.memory_space<hbm>>
      %dma_start3A_18 = tpu.memref_squeeze %dma_start3A_17 : memref<1x125x80xi32, #tpu.memory_space<hbm>> -> memref<125x80xi32, #tpu.memory_space<hbm>>
      tpu.enqueue_dma source(%dma_start3A_18 : memref<125x80xi32, #tpu.memory_space<hbm>>) target(%arg8 : memref<125x80xi32, #tpu.memory_space<vmem>>) target_semaphore(%run_scoped3A : memref<!tpu.dma_semaphore, #tpu.memory_space<semaphore_mem>>)
      %dma_wait3A = arith.constant 0 : i32
      %dma_wait3A_19 = arith.constant 0 : i32
      %dma_wait3A_20 = tpu.memref_slice %arg4[%add3A, %dma_wait3A, %dma_wait3A_19] : memref<32x125x80xi32, #tpu.memory_space<hbm>> -> memref<1x125x80xi32, #tpu.memory_space<hbm>>
      %dma_wait3A_21 = tpu.memref_squeeze %dma_wait3A_20 : memref<1x125x80xi32, #tpu.memory_space<hbm>> -> memref<125x80xi32, #tpu.memory_space<hbm>>
      %dma_wait3A_22 = arith.constant 0 : i32
      %dma_wait3A_23 = arith.constant 0 : i32
      %dma_wait3A_24 = tpu.memref_slice %arg4[%add3A, %dma_wait3A_22, %dma_wait3A_23] : memref<32x125x80xi32, #tpu.memory_space<hbm>> -> memref<1x125x80xi32, #tpu.memory_space<hbm>>
      %dma_wait3A_25 = tpu.memref_squeeze %dma_wait3A_24 : memref<1x125x80xi32, #tpu.memory_space<hbm>> -> memref<125x80xi32, #tpu.memory_space<hbm>>
      tpu.wait_dma2 semaphore(%run_scoped3A : memref<!tpu.dma_semaphore, #tpu.memory_space<semaphore_mem>>) src(%dma_wait3A_25 : memref<125x80xi32, #tpu.memory_space<hbm>>) dst(%arg8 : memref<125x80xi32, #tpu.memory_space<vmem>>)
      tpu.yield
    }) : () -> ()
    %barrier3A = arith.constant 0 : index
    tpu.barrier barrier_id(%barrier3A)
    %scan3A = arith.constant 0 : i32
    %scan3A_3 = arith.constant 0 : i32
    %scan3A_4 = arith.constant 125 : i32
    %scan3A_5 = arith.addi %scan3A_3, %scan3A_4 : i32
    %scan3A_6 = arith.constant 1 : i32
    scf.for %scan3A_12 = %scan3A_3 to %scan3A_5 step %scan3A_6  : i32 {
      %dma_start3A = arith.constant 0 : i32
      %dma_start3A_13 = tpu.memref_slice %arg7[%scan3A_12, %dma_start3A] : memref<125x80xi32, #tpu.memory_space<vmem>> -> memref<1x80xi32, #tpu.memory_space<vmem>>
      %dma_start3A_14 = tpu.memref_squeeze %dma_start3A_13 : memref<1x80xi32, #tpu.memory_space<vmem>> -> memref<80xi32, #tpu.memory_space<vmem>>
      %dma_start3A_15 = arith.constant 0 : i32
      %dma_start3A_16 = arith.constant 0 : i32
      %dma_start3A_17 = tpu.memref_slice %arg2[%dma_start3A_15, %dma_start3A_16] : memref<10000x128xf32, #tpu.memory_space<hbm>> -> memref<10000x128xf32, #tpu.memory_space<hbm>>
      tpu.enqueue_indirect_dma source(%dma_start3A_17 : memref<10000x128xf32, #tpu.memory_space<hbm>>) target(%arg9 : memref<80x128xf32, #tpu.memory_space<vmem>>) offsets(%dma_start3A_14 : memref<80xi32, #tpu.memory_space<vmem>>) semaphore(%arg11 : memref<!tpu.dma_semaphore, #tpu.memory_space<semaphore_mem>>)
      %dma_wait3A = arith.constant 0 : i32
      %dma_wait3A_18 = tpu.memref_slice %arg7[%scan3A_12, %dma_wait3A] : memref<125x80xi32, #tpu.memory_space<vmem>> -> memref<1x80xi32, #tpu.memory_space<vmem>>
      %dma_wait3A_19 = tpu.memref_squeeze %dma_wait3A_18 : memref<1x80xi32, #tpu.memory_space<vmem>> -> memref<80xi32, #tpu.memory_space<vmem>>
      %dma_wait3A_20 = arith.constant 0 : i32
      %dma_wait3A_21 = arith.constant 0 : i32
      %dma_wait3A_22 = tpu.memref_slice %arg2[%dma_wait3A_20, %dma_wait3A_21] : memref<10000x128xf32, #tpu.memory_space<hbm>> -> memref<10000x128xf32, #tpu.memory_space<hbm>>
      tpu.wait_indirect_dma semaphore(%arg11 : memref<!tpu.dma_semaphore, #tpu.memory_space<semaphore_mem>>) src(%dma_wait3A_22 : memref<10000x128xf32, #tpu.memory_space<hbm>>) dst(%arg9 : memref<80x128xf32, #tpu.memory_space<vmem>>)
      "tpu.region"() ({
        %run_scoped3A = tpu.sem_alloc : memref<!tpu.dma_semaphore, #tpu.memory_space<semaphore_mem>>
        %dma_start3A_23 = arith.constant 0 : i32
        %dma_start3A_24 = tpu.memref_slice %arg8[%scan3A_12, %dma_start3A_23] : memref<125x80xi32, #tpu.memory_space<vmem>> -> memref<1x80xi32, #tpu.memory_space<vmem>>
        %dma_start3A_25 = tpu.memref_squeeze %dma_start3A_24 : memref<1x80xi32, #tpu.memory_space<vmem>> -> memref<80xi32, #tpu.memory_space<vmem>>
        %dma_start3A_26 = arith.constant 0 : i32
        %dma_start3A_27 = arith.constant 0 : i32
        %dma_start3A_28 = tpu.memref_slice %arg10[%dma_start3A_26, %dma_start3A_27] : memref<10112x128xf32, #tpu.memory_space<vmem_shared>> -> memref<10112x128xf32, #tpu.memory_space<vmem_shared>>
        tpu.enqueue_indirect_dma source(%arg9 : memref<80x128xf32, #tpu.memory_space<vmem>>) target(%dma_start3A_28 : memref<10112x128xf32, #tpu.memory_space<vmem_shared>>) offsets(%dma_start3A_25 : memref<80xi32, #tpu.memory_space<vmem>>) semaphore(%run_scoped3A : memref<!tpu.dma_semaphore, #tpu.memory_space<semaphore_mem>>) {add = true}
        %dma_wait3A_29 = arith.constant 0 : i32
        %dma_wait3A_30 = tpu.memref_slice %arg8[%scan3A_12, %dma_wait3A_29] : memref<125x80xi32, #tpu.memory_space<vmem>> -> memref<1x80xi32, #tpu.memory_space<vmem>>
        %dma_wait3A_31 = tpu.memref_squeeze %dma_wait3A_30 : memref<1x80xi32, #tpu.memory_space<vmem>> -> memref<80xi32, #tpu.memory_space<vmem>>
        %dma_wait3A_32 = arith.constant 0 : i32
        %dma_wait3A_33 = arith.constant 0 : i32
        %dma_wait3A_34 = tpu.memref_slice %arg10[%dma_wait3A_32, %dma_wait3A_33] : memref<10112x128xf32, #tpu.memory_space<vmem_shared>> -> memref<10112x128xf32, #tpu.memory_space<vmem_shared>>
        tpu.wait_indirect_dma semaphore(%run_scoped3A : memref<!tpu.dma_semaphore, #tpu.memory_space<semaphore_mem>>) src(%arg9 : memref<80x128xf32, #tpu.memory_space<vmem>>) dst(%dma_wait3A_34 : memref<10112x128xf32, #tpu.memory_space<vmem_shared>>)
        tpu.yield
      }) : () -> ()
    }
    %scan3A_7 = arith.constant 125 : i32
    %barrier3A_8 = arith.constant 0 : index
    tpu.barrier barrier_id(%barrier3A_8)
    %mul3A_9 = arith.constant 10112 : i32
    %mul3A_10 = arith.muli %arg0, %mul3A_9 : i32
    %add3A_11 = arith.addi %mul3A_10, %mul3A_2 : i32
    "tpu.region"() ({
      %run_scoped3A = tpu.sem_alloc : memref<!tpu.dma_semaphore, #tpu.memory_space<semaphore_mem>>
      %dma_start3A = arith.constant 0 : i32
      %dma_start3A_12 = tpu.memref_slice %arg6[%add3A_11, %dma_start3A] : memref<20224x128xf32, #tpu.memory_space<hbm>> -> memref<632x128xf32, #tpu.memory_space<hbm>>
      %dma_start3A_13 = arith.constant 0 : i32
      %dma_start3A_14 = tpu.memref_slice %arg10[%mul3A_2, %dma_start3A_13] : memref<10112x128xf32, #tpu.memory_space<vmem_shared>> -> memref<632x128xf32, #tpu.memory_space<vmem_shared>>
      tpu.enqueue_dma source(%dma_start3A_14 : memref<632x128xf32, #tpu.memory_space<vmem_shared>>) target(%dma_start3A_12 : memref<632x128xf32, #tpu.memory_space<hbm>>) target_semaphore(%run_scoped3A : memref<!tpu.dma_semaphore, #tpu.memory_space<semaphore_mem>>)
      %dma_wait3A = arith.constant 0 : i32
      %dma_wait3A_15 = tpu.memref_slice %arg6[%add3A_11, %dma_wait3A] : memref<20224x128xf32, #tpu.memory_space<hbm>> -> memref<632x128xf32, #tpu.memory_space<hbm>>
      %dma_wait3A_16 = arith.constant 0 : i32
      %dma_wait3A_17 = tpu.memref_slice %arg10[%mul3A_2, %dma_wait3A_16] : memref<10112x128xf32, #tpu.memory_space<vmem_shared>> -> memref<632x128xf32, #tpu.memory_space<vmem_shared>>
      tpu.wait_dma2 semaphore(%run_scoped3A : memref<!tpu.dma_semaphore, #tpu.memory_space<semaphore_mem>>) src(%dma_wait3A_17 : memref<632x128xf32, #tpu.memory_space<vmem_shared>>) dst(%dma_wait3A_15 : memref<632x128xf32, #tpu.memory_space<hbm>>)
      tpu.yield
    }) : () -> ()
    return
  }
}

#map = affine_map<(d0, d1) -> (0, 0)>
#map1 = affine_map<(d0, d1) -> (0)>
module attributes {stable_mosaic.version = 14 : i64} {
  func.func @sc_edge_kernel(%arg0: i32, %arg1: i32, %arg2: memref<64000x128xf32, #tpu.memory_space<hbm>>, %arg3: memref<64000x128xi32, #tpu.memory_space<hbm>>, %arg4: memref<323584xf32, #tpu.memory_space<hbm>>, %arg5: memref<16x128xf32, #tpu.memory_space<vmem>>, %arg6: memref<16x128xi32, #tpu.memory_space<vmem>>, %arg7: memref<16xi32, #tpu.memory_space<vmem>>, %arg8: memref<1280xf32, #tpu.memory_space<vmem>>, %arg9: memref<161792xf32, #tpu.memory_space<vmem_shared>>, %arg10: memref<!tpu.dma_semaphore, #tpu.memory_space<semaphore_mem>>, %arg11: memref<!tpu.dma_semaphore, #tpu.memory_space<semaphore_mem>>) attributes {dimension_semantics = [#tpu.dimension_semantics<core_parallel>, #tpu.dimension_semantics<subcore_parallel>], iteration_bounds = array<i64: 2, 16>, scalar_prefetch = 0 : i64, scratch_operands = 7 : i64, tpu.core_type = #tpu.core_type<sc_vector_subcore>, window_params = [{transform_indices = #map}, {transform_indices = #map}, {transform_indices = #map1}]} {
    %mul3A = arith.constant 16 : i32
    %mul3A_0 = arith.muli %arg0, %mul3A : i32
    %add3A = arith.addi %mul3A_0, %arg1 : i32
    %mul3A_1 = arith.constant 10112 : i32
    %mul3A_2 = arith.muli %arg1, %mul3A_1 : i32
    %broadcast_in_dim3A = arith.constant 0.000000e+00 : f32
    %broadcast_in_dim3A_3 = vector.broadcast %broadcast_in_dim3A : f32 to vector<16xf32>
    %swap3A = arith.constant 0 : index
    %swap3A_4 = tpu.vector_load %arg8[%swap3A] {strides = array<i32>} : memref<1280xf32, #tpu.memory_space<vmem>>, vector<16xf32>,
    %swap3A_5 = vector.shape_cast %swap3A_4 : vector<16xf32> to vector<16xf32>
    %swap3A_6 = vector.shape_cast %broadcast_in_dim3A_3 : vector<16xf32> to vector<16xf32>
    tpu.vector_store %arg8[%swap3A], %swap3A_6 {strides = array<i32>} : memref<1280xf32, #tpu.memory_space<vmem>>, vector<16xf32>,
    %swap3A_7 = arith.constant 16 : index
    %swap3A_8 = tpu.vector_load %arg8[%swap3A_7] {strides = array<i32>} : memref<1280xf32, #tpu.memory_space<vmem>>, vector<16xf32>,
    %swap3A_9 = vector.shape_cast %swap3A_8 : vector<16xf32> to vector<16xf32>
    %swap3A_10 = vector.shape_cast %broadcast_in_dim3A_3 : vector<16xf32> to vector<16xf32>
    tpu.vector_store %arg8[%swap3A_7], %swap3A_10 {strides = array<i32>} : memref<1280xf32, #tpu.memory_space<vmem>>, vector<16xf32>,
    %swap3A_11 = arith.constant 32 : index
    %swap3A_12 = tpu.vector_load %arg8[%swap3A_11] {strides = array<i32>} : memref<1280xf32, #tpu.memory_space<vmem>>, vector<16xf32>,
    %swap3A_13 = vector.shape_cast %swap3A_12 : vector<16xf32> to vector<16xf32>
    %swap3A_14 = vector.shape_cast %broadcast_in_dim3A_3 : vector<16xf32> to vector<16xf32>
    tpu.vector_store %arg8[%swap3A_11], %swap3A_14 {strides = array<i32>} : memref<1280xf32, #tpu.memory_space<vmem>>, vector<16xf32>,
    %swap3A_15 = arith.constant 48 : index
    %swap3A_16 = tpu.vector_load %arg8[%swap3A_15] {strides = array<i32>} : memref<1280xf32, #tpu.memory_space<vmem>>, vector<16xf32>,
    %swap3A_17 = vector.shape_cast %swap3A_16 : vector<16xf32> to vector<16xf32>
    %swap3A_18 = vector.shape_cast %broadcast_in_dim3A_3 : vector<16xf32> to vector<16xf32>
    tpu.vector_store %arg8[%swap3A_15], %swap3A_18 {strides = array<i32>} : memref<1280xf32, #tpu.memory_space<vmem>>, vector<16xf32>,
    %swap3A_19 = arith.constant 64 : index
    %swap3A_20 = tpu.vector_load %arg8[%swap3A_19] {strides = array<i32>} : memref<1280xf32, #tpu.memory_space<vmem>>, vector<16xf32>,
    %swap3A_21 = vector.shape_cast %swap3A_20 : vector<16xf32> to vector<16xf32>
    %swap3A_22 = vector.shape_cast %broadcast_in_dim3A_3 : vector<16xf32> to vector<16xf32>
    tpu.vector_store %arg8[%swap3A_19], %swap3A_22 {strides = array<i32>} : memref<1280xf32, #tpu.memory_space<vmem>>, vector<16xf32>,
    %swap3A_23 = arith.constant 80 : index
    %swap3A_24 = tpu.vector_load %arg8[%swap3A_23] {strides = array<i32>} : memref<1280xf32, #tpu.memory_space<vmem>>, vector<16xf32>,
    %swap3A_25 = vector.shape_cast %swap3A_24 : vector<16xf32> to vector<16xf32>
    %swap3A_26 = vector.shape_cast %broadcast_in_dim3A_3 : vector<16xf32> to vector<16xf32>
    tpu.vector_store %arg8[%swap3A_23], %swap3A_26 {strides = array<i32>} : memref<1280xf32, #tpu.memory_space<vmem>>, vector<16xf32>,
    %swap3A_27 = arith.constant 96 : index
    %swap3A_28 = tpu.vector_load %arg8[%swap3A_27] {strides = array<i32>} : memref<1280xf32, #tpu.memory_space<vmem>>, vector<16xf32>,
    %swap3A_29 = vector.shape_cast %swap3A_28 : vector<16xf32> to vector<16xf32>
    %swap3A_30 = vector.shape_cast %broadcast_in_dim3A_3 : vector<16xf32> to vector<16xf32>
    tpu.vector_store %arg8[%swap3A_27], %swap3A_30 {strides = array<i32>} : memref<1280xf32, #tpu.memory_space<vmem>>, vector<16xf32>,
    %swap3A_31 = arith.constant 112 : index
    %swap3A_32 = tpu.vector_load %arg8[%swap3A_31] {strides = array<i32>} : memref<1280xf32, #tpu.memory_space<vmem>>, vector<16xf32>,
    %swap3A_33 = vector.shape_cast %swap3A_32 : vector<16xf32> to vector<16xf32>
    %swap3A_34 = vector.shape_cast %broadcast_in_dim3A_3 : vector<16xf32> to vector<16xf32>
    tpu.vector_store %arg8[%swap3A_31], %swap3A_34 {strides = array<i32>} : memref<1280xf32, #tpu.memory_space<vmem>>, vector<16xf32>,
    %swap3A_35 = arith.constant 128 : index
    %swap3A_36 = tpu.vector_load %arg8[%swap3A_35] {strides = array<i32>} : memref<1280xf32, #tpu.memory_space<vmem>>, vector<16xf32>,
    %swap3A_37 = vector.shape_cast %swap3A_36 : vector<16xf32> to vector<16xf32>
    %swap3A_38 = vector.shape_cast %broadcast_in_dim3A_3 : vector<16xf32> to vector<16xf32>
    tpu.vector_store %arg8[%swap3A_35], %swap3A_38 {strides = array<i32>} : memref<1280xf32, #tpu.memory_space<vmem>>, vector<16xf32>,
    %swap3A_39 = arith.constant 144 : index
    %swap3A_40 = tpu.vector_load %arg8[%swap3A_39] {strides = array<i32>} : memref<1280xf32, #tpu.memory_space<vmem>>, vector<16xf32>,
    %swap3A_41 = vector.shape_cast %swap3A_40 : vector<16xf32> to vector<16xf32>
    %swap3A_42 = vector.shape_cast %broadcast_in_dim3A_3 : vector<16xf32> to vector<16xf32>
    tpu.vector_store %arg8[%swap3A_39], %swap3A_42 {strides = array<i32>} : memref<1280xf32, #tpu.memory_space<vmem>>, vector<16xf32>,
    %swap3A_43 = arith.constant 160 : index
    %swap3A_44 = tpu.vector_load %arg8[%swap3A_43] {strides = array<i32>} : memref<1280xf32, #tpu.memory_space<vmem>>, vector<16xf32>,
    %swap3A_45 = vector.shape_cast %swap3A_44 : vector<16xf32> to vector<16xf32>
    %swap3A_46 = vector.shape_cast %broadcast_in_dim3A_3 : vector<16xf32> to vector<16xf32>
    tpu.vector_store %arg8[%swap3A_43], %swap3A_46 {strides = array<i32>} : memref<1280xf32, #tpu.memory_space<vmem>>, vector<16xf32>,
    %swap3A_47 = arith.constant 176 : index
    %swap3A_48 = tpu.vector_load %arg8[%swap3A_47] {strides = array<i32>} : memref<1280xf32, #tpu.memory_space<vmem>>, vector<16xf32>,
    %swap3A_49 = vector.shape_cast %swap3A_48 : vector<16xf32> to vector<16xf32>
    %swap3A_50 = vector.shape_cast %broadcast_in_dim3A_3 : vector<16xf32> to vector<16xf32>
    tpu.vector_store %arg8[%swap3A_47], %swap3A_50 {strides = array<i32>} : memref<1280xf32, #tpu.memory_space<vmem>>, vector<16xf32>,
    %swap3A_51 = arith.constant 192 : index
    %swap3A_52 = tpu.vector_load %arg8[%swap3A_51] {strides = array<i32>} : memref<1280xf32, #tpu.memory_space<vmem>>, vector<16xf32>,
    %swap3A_53 = vector.shape_cast %swap3A_52 : vector<16xf32> to vector<16xf32>
    %swap3A_54 = vector.shape_cast %broadcast_in_dim3A_3 : vector<16xf32> to vector<16xf32>
    tpu.vector_store %arg8[%swap3A_51], %swap3A_54 {strides = array<i32>} : memref<1280xf32, #tpu.memory_space<vmem>>, vector<16xf32>,
    %swap3A_55 = arith.constant 208 : index
    %swap3A_56 = tpu.vector_load %arg8[%swap3A_55] {strides = array<i32>} : memref<1280xf32, #tpu.memory_space<vmem>>, vector<16xf32>,
    %swap3A_57 = vector.shape_cast %swap3A_56 : vector<16xf32> to vector<16xf32>
    %swap3A_58 = vector.shape_cast %broadcast_in_dim3A_3 : vector<16xf32> to vector<16xf32>
    tpu.vector_store %arg8[%swap3A_55], %swap3A_58 {strides = array<i32>} : memref<1280xf32, #tpu.memory_space<vmem>>, vector<16xf32>,
    %swap3A_59 = arith.constant 224 : index
    %swap3A_60 = tpu.vector_load %arg8[%swap3A_59] {strides = array<i32>} : memref<1280xf32, #tpu.memory_space<vmem>>, vector<16xf32>,
    %swap3A_61 = vector.shape_cast %swap3A_60 : vector<16xf32> to vector<16xf32>
    %swap3A_62 = vector.shape_cast %broadcast_in_dim3A_3 : vector<16xf32> to vector<16xf32>
    tpu.vector_store %arg8[%swap3A_59], %swap3A_62 {strides = array<i32>} : memref<1280xf32, #tpu.memory_space<vmem>>, vector<16xf32>,
    %swap3A_63 = arith.constant 240 : index
    %swap3A_64 = tpu.vector_load %arg8[%swap3A_63] {strides = array<i32>} : memref<1280xf32, #tpu.memory_space<vmem>>, vector<16xf32>,
    %swap3A_65 = vector.shape_cast %swap3A_64 : vector<16xf32> to vector<16xf32>
    %swap3A_66 = vector.shape_cast %broadcast_in_dim3A_3 : vector<16xf32> to vector<16xf32>
    tpu.vector_store %arg8[%swap3A_63], %swap3A_66 {strides = array<i32>} : memref<1280xf32, #tpu.memory_space<vmem>>, vector<16xf32>,
    %swap3A_67 = arith.constant 256 : index
    %swap3A_68 = tpu.vector_load %arg8[%swap3A_67] {strides = array<i32>} : memref<1280xf32, #tpu.memory_space<vmem>>, vector<16xf32>,
    %swap3A_69 = vector.shape_cast %swap3A_68 : vector<16xf32> to vector<16xf32>
    %swap3A_70 = vector.shape_cast %broadcast_in_dim3A_3 : vector<16xf32> to vector<16xf32>
    tpu.vector_store %arg8[%swap3A_67], %swap3A_70 {strides = array<i32>} : memref<1280xf32, #tpu.memory_space<vmem>>, vector<16xf32>,
    %swap3A_71 = arith.constant 272 : index
    %swap3A_72 = tpu.vector_load %arg8[%swap3A_71] {strides = array<i32>} : memref<1280xf32, #tpu.memory_space<vmem>>, vector<16xf32>,
    %swap3A_73 = vector.shape_cast %swap3A_72 : vector<16xf32> to vector<16xf32>
    %swap3A_74 = vector.shape_cast %broadcast_in_dim3A_3 : vector<16xf32> to vector<16xf32>
    tpu.vector_store %arg8[%swap3A_71], %swap3A_74 {strides = array<i32>} : memref<1280xf32, #tpu.memory_space<vmem>>, vector<16xf32>,
    %swap3A_75 = arith.constant 288 : index
    %swap3A_76 = tpu.vector_load %arg8[%swap3A_75] {strides = array<i32>} : memref<1280xf32, #tpu.memory_space<vmem>>, vector<16xf32>,
    %swap3A_77 = vector.shape_cast %swap3A_76 : vector<16xf32> to vector<16xf32>
    %swap3A_78 = vector.shape_cast %broadcast_in_dim3A_3 : vector<16xf32> to vector<16xf32>
    tpu.vector_store %arg8[%swap3A_75], %swap3A_78 {strides = array<i32>} : memref<1280xf32, #tpu.memory_space<vmem>>, vector<16xf32>,
    %swap3A_79 = arith.constant 304 : index
    %swap3A_80 = tpu.vector_load %arg8[%swap3A_79] {strides = array<i32>} : memref<1280xf32, #tpu.memory_space<vmem>>, vector<16xf32>,
    %swap3A_81 = vector.shape_cast %swap3A_80 : vector<16xf32> to vector<16xf32>
    %swap3A_82 = vector.shape_cast %broadcast_in_dim3A_3 : vector<16xf32> to vector<16xf32>
    tpu.vector_store %arg8[%swap3A_79], %swap3A_82 {strides = array<i32>} : memref<1280xf32, #tpu.memory_space<vmem>>, vector<16xf32>,
    %swap3A_83 = arith.constant 320 : index
    %swap3A_84 = tpu.vector_load %arg8[%swap3A_83] {strides = array<i32>} : memref<1280xf32, #tpu.memory_space<vmem>>, vector<16xf32>,
    %swap3A_85 = vector.shape_cast %swap3A_84 : vector<16xf32> to vector<16xf32>
    %swap3A_86 = vector.shape_cast %broadcast_in_dim3A_3 : vector<16xf32> to vector<16xf32>
    tpu.vector_store %arg8[%swap3A_83], %swap3A_86 {strides = array<i32>} : memref<1280xf32, #tpu.memory_space<vmem>>, vector<16xf32>,
    %swap3A_87 = arith.constant 336 : index
    %swap3A_88 = tpu.vector_load %arg8[%swap3A_87] {strides = array<i32>} : memref<1280xf32, #tpu.memory_space<vmem>>, vector<16xf32>,
    %swap3A_89 = vector.shape_cast %swap3A_88 : vector<16xf32> to vector<16xf32>
    %swap3A_90 = vector.shape_cast %broadcast_in_dim3A_3 : vector<16xf32> to vector<16xf32>
    tpu.vector_store %arg8[%swap3A_87], %swap3A_90 {strides = array<i32>} : memref<1280xf32, #tpu.memory_space<vmem>>, vector<16xf32>,
    %swap3A_91 = arith.constant 352 : index
    %swap3A_92 = tpu.vector_load %arg8[%swap3A_91] {strides = array<i32>} : memref<1280xf32, #tpu.memory_space<vmem>>, vector<16xf32>,
    %swap3A_93 = vector.shape_cast %swap3A_92 : vector<16xf32> to vector<16xf32>
    %swap3A_94 = vector.shape_cast %broadcast_in_dim3A_3 : vector<16xf32> to vector<16xf32>
    tpu.vector_store %arg8[%swap3A_91], %swap3A_94 {strides = array<i32>} : memref<1280xf32, #tpu.memory_space<vmem>>, vector<16xf32>,
    %swap3A_95 = arith.constant 368 : index
    %swap3A_96 = tpu.vector_load %arg8[%swap3A_95] {strides = array<i32>} : memref<1280xf32, #tpu.memory_space<vmem>>, vector<16xf32>,
    %swap3A_97 = vector.shape_cast %swap3A_96 : vector<16xf32> to vector<16xf32>
    %swap3A_98 = vector.shape_cast %broadcast_in_dim3A_3 : vector<16xf32> to vector<16xf32>
    tpu.vector_store %arg8[%swap3A_95], %swap3A_98 {strides = array<i32>} : memref<1280xf32, #tpu.memory_space<vmem>>, vector<16xf32>,
    %swap3A_99 = arith.constant 384 : index
    %swap3A_100 = tpu.vector_load %arg8[%swap3A_99] {strides = array<i32>} : memref<1280xf32, #tpu.memory_space<vmem>>, vector<16xf32>,
    %swap3A_101 = vector.shape_cast %swap3A_100 : vector<16xf32> to vector<16xf32>
    %swap3A_102 = vector.shape_cast %broadcast_in_dim3A_3 : vector<16xf32> to vector<16xf32>
    tpu.vector_store %arg8[%swap3A_99], %swap3A_102 {strides = array<i32>} : memref<1280xf32, #tpu.memory_space<vmem>>, vector<16xf32>,
    %swap3A_103 = arith.constant 400 : index
    %swap3A_104 = tpu.vector_load %arg8[%swap3A_103] {strides = array<i32>} : memref<1280xf32, #tpu.memory_space<vmem>>, vector<16xf32>,
    %swap3A_105 = vector.shape_cast %swap3A_104 : vector<16xf32> to vector<16xf32>
    %swap3A_106 = vector.shape_cast %broadcast_in_dim3A_3 : vector<16xf32> to vector<16xf32>
    tpu.vector_store %arg8[%swap3A_103], %swap3A_106 {strides = array<i32>} : memref<1280xf32, #tpu.memory_space<vmem>>, vector<16xf32>,
    %swap3A_107 = arith.constant 416 : index
    %swap3A_108 = tpu.vector_load %arg8[%swap3A_107] {strides = array<i32>} : memref<1280xf32, #tpu.memory_space<vmem>>, vector<16xf32>,
    %swap3A_109 = vector.shape_cast %swap3A_108 : vector<16xf32> to vector<16xf32>
    %swap3A_110 = vector.shape_cast %broadcast_in_dim3A_3 : vector<16xf32> to vector<16xf32>
    tpu.vector_store %arg8[%swap3A_107], %swap3A_110 {strides = array<i32>} : memref<1280xf32, #tpu.memory_space<vmem>>, vector<16xf32>,
    %swap3A_111 = arith.constant 432 : index
    %swap3A_112 = tpu.vector_load %arg8[%swap3A_111] {strides = array<i32>} : memref<1280xf32, #tpu.memory_space<vmem>>, vector<16xf32>,
    %swap3A_113 = vector.shape_cast %swap3A_112 : vector<16xf32> to vector<16xf32>
    %swap3A_114 = vector.shape_cast %broadcast_in_dim3A_3 : vector<16xf32> to vector<16xf32>
    tpu.vector_store %arg8[%swap3A_111], %swap3A_114 {strides = array<i32>} : memref<1280xf32, #tpu.memory_space<vmem>>, vector<16xf32>,
    %swap3A_115 = arith.constant 448 : index
    %swap3A_116 = tpu.vector_load %arg8[%swap3A_115] {strides = array<i32>} : memref<1280xf32, #tpu.memory_space<vmem>>, vector<16xf32>,
    %swap3A_117 = vector.shape_cast %swap3A_116 : vector<16xf32> to vector<16xf32>
    %swap3A_118 = vector.shape_cast %broadcast_in_dim3A_3 : vector<16xf32> to vector<16xf32>
    tpu.vector_store %arg8[%swap3A_115], %swap3A_118 {strides = array<i32>} : memref<1280xf32, #tpu.memory_space<vmem>>, vector<16xf32>,
    %swap3A_119 = arith.constant 464 : index
    %swap3A_120 = tpu.vector_load %arg8[%swap3A_119] {strides = array<i32>} : memref<1280xf32, #tpu.memory_space<vmem>>, vector<16xf32>,
    %swap3A_121 = vector.shape_cast %swap3A_120 : vector<16xf32> to vector<16xf32>
    %swap3A_122 = vector.shape_cast %broadcast_in_dim3A_3 : vector<16xf32> to vector<16xf32>
    tpu.vector_store %arg8[%swap3A_119], %swap3A_122 {strides = array<i32>} : memref<1280xf32, #tpu.memory_space<vmem>>, vector<16xf32>,
    %swap3A_123 = arith.constant 480 : index
    %swap3A_124 = tpu.vector_load %arg8[%swap3A_123] {strides = array<i32>} : memref<1280xf32, #tpu.memory_space<vmem>>, vector<16xf32>,
    %swap3A_125 = vector.shape_cast %swap3A_124 : vector<16xf32> to vector<16xf32>
    %swap3A_126 = vector.shape_cast %broadcast_in_dim3A_3 : vector<16xf32> to vector<16xf32>
    tpu.vector_store %arg8[%swap3A_123], %swap3A_126 {strides = array<i32>} : memref<1280xf32, #tpu.memory_space<vmem>>, vector<16xf32>,
    %swap3A_127 = arith.constant 496 : index
    %swap3A_128 = tpu.vector_load %arg8[%swap3A_127] {strides = array<i32>} : memref<1280xf32, #tpu.memory_space<vmem>>, vector<16xf32>,
    %swap3A_129 = vector.shape_cast %swap3A_128 : vector<16xf32> to vector<16xf32>
    %swap3A_130 = vector.shape_cast %broadcast_in_dim3A_3 : vector<16xf32> to vector<16xf32>
    tpu.vector_store %arg8[%swap3A_127], %swap3A_130 {strides = array<i32>} : memref<1280xf32, #tpu.memory_space<vmem>>, vector<16xf32>,
    %swap3A_131 = arith.constant 512 : index
    %swap3A_132 = tpu.vector_load %arg8[%swap3A_131] {strides = array<i32>} : memref<1280xf32, #tpu.memory_space<vmem>>, vector<16xf32>,
    %swap3A_133 = vector.shape_cast %swap3A_132 : vector<16xf32> to vector<16xf32>
    %swap3A_134 = vector.shape_cast %broadcast_in_dim3A_3 : vector<16xf32> to vector<16xf32>
    tpu.vector_store %arg8[%swap3A_131], %swap3A_134 {strides = array<i32>} : memref<1280xf32, #tpu.memory_space<vmem>>, vector<16xf32>,
    %swap3A_135 = arith.constant 528 : index
    %swap3A_136 = tpu.vector_load %arg8[%swap3A_135] {strides = array<i32>} : memref<1280xf32, #tpu.memory_space<vmem>>, vector<16xf32>,
    %swap3A_137 = vector.shape_cast %swap3A_136 : vector<16xf32> to vector<16xf32>
    %swap3A_138 = vector.shape_cast %broadcast_in_dim3A_3 : vector<16xf32> to vector<16xf32>
    tpu.vector_store %arg8[%swap3A_135], %swap3A_138 {strides = array<i32>} : memref<1280xf32, #tpu.memory_space<vmem>>, vector<16xf32>,
    %swap3A_139 = arith.constant 544 : index
    %swap3A_140 = tpu.vector_load %arg8[%swap3A_139] {strides = array<i32>} : memref<1280xf32, #tpu.memory_space<vmem>>, vector<16xf32>,
    %swap3A_141 = vector.shape_cast %swap3A_140 : vector<16xf32> to vector<16xf32>
    %swap3A_142 = vector.shape_cast %broadcast_in_dim3A_3 : vector<16xf32> to vector<16xf32>
    tpu.vector_store %arg8[%swap3A_139], %swap3A_142 {strides = array<i32>} : memref<1280xf32, #tpu.memory_space<vmem>>, vector<16xf32>,
    %swap3A_143 = arith.constant 560 : index
    %swap3A_144 = tpu.vector_load %arg8[%swap3A_143] {strides = array<i32>} : memref<1280xf32, #tpu.memory_space<vmem>>, vector<16xf32>,
    %swap3A_145 = vector.shape_cast %swap3A_144 : vector<16xf32> to vector<16xf32>
    %swap3A_146 = vector.shape_cast %broadcast_in_dim3A_3 : vector<16xf32> to vector<16xf32>
    tpu.vector_store %arg8[%swap3A_143], %swap3A_146 {strides = array<i32>} : memref<1280xf32, #tpu.memory_space<vmem>>, vector<16xf32>,
    %swap3A_147 = arith.constant 576 : index
    %swap3A_148 = tpu.vector_load %arg8[%swap3A_147] {strides = array<i32>} : memref<1280xf32, #tpu.memory_space<vmem>>, vector<16xf32>,
    %swap3A_149 = vector.shape_cast %swap3A_148 : vector<16xf32> to vector<16xf32>
    %swap3A_150 = vector.shape_cast %broadcast_in_dim3A_3 : vector<16xf32> to vector<16xf32>
    tpu.vector_store %arg8[%swap3A_147], %swap3A_150 {strides = array<i32>} : memref<1280xf32, #tpu.memory_space<vmem>>, vector<16xf32>,
    %swap3A_151 = arith.constant 592 : index
    %swap3A_152 = tpu.vector_load %arg8[%swap3A_151] {strides = array<i32>} : memref<1280xf32, #tpu.memory_space<vmem>>, vector<16xf32>,
    %swap3A_153 = vector.shape_cast %swap3A_152 : vector<16xf32> to vector<16xf32>
    %swap3A_154 = vector.shape_cast %broadcast_in_dim3A_3 : vector<16xf32> to vector<16xf32>
    tpu.vector_store %arg8[%swap3A_151], %swap3A_154 {strides = array<i32>} : memref<1280xf32, #tpu.memory_space<vmem>>, vector<16xf32>,
    %swap3A_155 = arith.constant 608 : index
    %swap3A_156 = tpu.vector_load %arg8[%swap3A_155] {strides = array<i32>} : memref<1280xf32, #tpu.memory_space<vmem>>, vector<16xf32>,
    %swap3A_157 = vector.shape_cast %swap3A_156 : vector<16xf32> to vector<16xf32>
    %swap3A_158 = vector.shape_cast %broadcast_in_dim3A_3 : vector<16xf32> to vector<16xf32>
    tpu.vector_store %arg8[%swap3A_155], %swap3A_158 {strides = array<i32>} : memref<1280xf32, #tpu.memory_space<vmem>>, vector<16xf32>,
    %swap3A_159 = arith.constant 624 : index
    %swap3A_160 = tpu.vector_load %arg8[%swap3A_159] {strides = array<i32>} : memref<1280xf32, #tpu.memory_space<vmem>>, vector<16xf32>,
    %swap3A_161 = vector.shape_cast %swap3A_160 : vector<16xf32> to vector<16xf32>
    %swap3A_162 = vector.shape_cast %broadcast_in_dim3A_3 : vector<16xf32> to vector<16xf32>
    tpu.vector_store %arg8[%swap3A_159], %swap3A_162 {strides = array<i32>} : memref<1280xf32, #tpu.memory_space<vmem>>, vector<16xf32>,
    %swap3A_163 = arith.constant 640 : index
    %swap3A_164 = tpu.vector_load %arg8[%swap3A_163] {strides = array<i32>} : memref<1280xf32, #tpu.memory_space<vmem>>, vector<16xf32>,
    %swap3A_165 = vector.shape_cast %swap3A_164 : vector<16xf32> to vector<16xf32>
    %swap3A_166 = vector.shape_cast %broadcast_in_dim3A_3 : vector<16xf32> to vector<16xf32>
    tpu.vector_store %arg8[%swap3A_163], %swap3A_166 {strides = array<i32>} : memref<1280xf32, #tpu.memory_space<vmem>>, vector<16xf32>,
    %swap3A_167 = arith.constant 656 : index
    %swap3A_168 = tpu.vector_load %arg8[%swap3A_167] {strides = array<i32>} : memref<1280xf32, #tpu.memory_space<vmem>>, vector<16xf32>,
    %swap3A_169 = vector.shape_cast %swap3A_168 : vector<16xf32> to vector<16xf32>
    %swap3A_170 = vector.shape_cast %broadcast_in_dim3A_3 : vector<16xf32> to vector<16xf32>
    tpu.vector_store %arg8[%swap3A_167], %swap3A_170 {strides = array<i32>} : memref<1280xf32, #tpu.memory_space<vmem>>, vector<16xf32>,
    %swap3A_171 = arith.constant 672 : index
    %swap3A_172 = tpu.vector_load %arg8[%swap3A_171] {strides = array<i32>} : memref<1280xf32, #tpu.memory_space<vmem>>, vector<16xf32>,
    %swap3A_173 = vector.shape_cast %swap3A_172 : vector<16xf32> to vector<16xf32>
    %swap3A_174 = vector.shape_cast %broadcast_in_dim3A_3 : vector<16xf32> to vector<16xf32>
    tpu.vector_store %arg8[%swap3A_171], %swap3A_174 {strides = array<i32>} : memref<1280xf32, #tpu.memory_space<vmem>>, vector<16xf32>,
    %swap3A_175 = arith.constant 688 : index
    %swap3A_176 = tpu.vector_load %arg8[%swap3A_175] {strides = array<i32>} : memref<1280xf32, #tpu.memory_space<vmem>>, vector<16xf32>,
    %swap3A_177 = vector.shape_cast %swap3A_176 : vector<16xf32> to vector<16xf32>
    %swap3A_178 = vector.shape_cast %broadcast_in_dim3A_3 : vector<16xf32> to vector<16xf32>
    tpu.vector_store %arg8[%swap3A_175], %swap3A_178 {strides = array<i32>} : memref<1280xf32, #tpu.memory_space<vmem>>, vector<16xf32>,
    %swap3A_179 = arith.constant 704 : index
    %swap3A_180 = tpu.vector_load %arg8[%swap3A_179] {strides = array<i32>} : memref<1280xf32, #tpu.memory_space<vmem>>, vector<16xf32>,
    %swap3A_181 = vector.shape_cast %swap3A_180 : vector<16xf32> to vector<16xf32>
    %swap3A_182 = vector.shape_cast %broadcast_in_dim3A_3 : vector<16xf32> to vector<16xf32>
    tpu.vector_store %arg8[%swap3A_179], %swap3A_182 {strides = array<i32>} : memref<1280xf32, #tpu.memory_space<vmem>>, vector<16xf32>,
    %swap3A_183 = arith.constant 720 : index
    %swap3A_184 = tpu.vector_load %arg8[%swap3A_183] {strides = array<i32>} : memref<1280xf32, #tpu.memory_space<vmem>>, vector<16xf32>,
    %swap3A_185 = vector.shape_cast %swap3A_184 : vector<16xf32> to vector<16xf32>
    %swap3A_186 = vector.shape_cast %broadcast_in_dim3A_3 : vector<16xf32> to vector<16xf32>
    tpu.vector_store %arg8[%swap3A_183], %swap3A_186 {strides = array<i32>} : memref<1280xf32, #tpu.memory_space<vmem>>, vector<16xf32>,
    %swap3A_187 = arith.constant 736 : index
    %swap3A_188 = tpu.vector_load %arg8[%swap3A_187] {strides = array<i32>} : memref<1280xf32, #tpu.memory_space<vmem>>, vector<16xf32>,
    %swap3A_189 = vector.shape_cast %swap3A_188 : vector<16xf32> to vector<16xf32>
    %swap3A_190 = vector.shape_cast %broadcast_in_dim3A_3 : vector<16xf32> to vector<16xf32>
    tpu.vector_store %arg8[%swap3A_187], %swap3A_190 {strides = array<i32>} : memref<1280xf32, #tpu.memory_space<vmem>>, vector<16xf32>,
    %swap3A_191 = arith.constant 752 : index
    %swap3A_192 = tpu.vector_load %arg8[%swap3A_191] {strides = array<i32>} : memref<1280xf32, #tpu.memory_space<vmem>>, vector<16xf32>,
    %swap3A_193 = vector.shape_cast %swap3A_192 : vector<16xf32> to vector<16xf32>
    %swap3A_194 = vector.shape_cast %broadcast_in_dim3A_3 : vector<16xf32> to vector<16xf32>
    tpu.vector_store %arg8[%swap3A_191], %swap3A_194 {strides = array<i32>} : memref<1280xf32, #tpu.memory_space<vmem>>, vector<16xf32>,
    %swap3A_195 = arith.constant 768 : index
    %swap3A_196 = tpu.vector_load %arg8[%swap3A_195] {strides = array<i32>} : memref<1280xf32, #tpu.memory_space<vmem>>, vector<16xf32>,
    %swap3A_197 = vector.shape_cast %swap3A_196 : vector<16xf32> to vector<16xf32>
    %swap3A_198 = vector.shape_cast %broadcast_in_dim3A_3 : vector<16xf32> to vector<16xf32>
    tpu.vector_store %arg8[%swap3A_195], %swap3A_198 {strides = array<i32>} : memref<1280xf32, #tpu.memory_space<vmem>>, vector<16xf32>,
    %swap3A_199 = arith.constant 784 : index
    %swap3A_200 = tpu.vector_load %arg8[%swap3A_199] {strides = array<i32>} : memref<1280xf32, #tpu.memory_space<vmem>>, vector<16xf32>,
    %swap3A_201 = vector.shape_cast %swap3A_200 : vector<16xf32> to vector<16xf32>
    %swap3A_202 = vector.shape_cast %broadcast_in_dim3A_3 : vector<16xf32> to vector<16xf32>
    tpu.vector_store %arg8[%swap3A_199], %swap3A_202 {strides = array<i32>} : memref<1280xf32, #tpu.memory_space<vmem>>, vector<16xf32>,
    %swap3A_203 = arith.constant 800 : index
    %swap3A_204 = tpu.vector_load %arg8[%swap3A_203] {strides = array<i32>} : memref<1280xf32, #tpu.memory_space<vmem>>, vector<16xf32>,
    %swap3A_205 = vector.shape_cast %swap3A_204 : vector<16xf32> to vector<16xf32>
    %swap3A_206 = vector.shape_cast %broadcast_in_dim3A_3 : vector<16xf32> to vector<16xf32>
    tpu.vector_store %arg8[%swap3A_203], %swap3A_206 {strides = array<i32>} : memref<1280xf32, #tpu.memory_space<vmem>>, vector<16xf32>,
    %swap3A_207 = arith.constant 816 : index
    %swap3A_208 = tpu.vector_load %arg8[%swap3A_207] {strides = array<i32>} : memref<1280xf32, #tpu.memory_space<vmem>>, vector<16xf32>,
    %swap3A_209 = vector.shape_cast %swap3A_208 : vector<16xf32> to vector<16xf32>
    %swap3A_210 = vector.shape_cast %broadcast_in_dim3A_3 : vector<16xf32> to vector<16xf32>
    tpu.vector_store %arg8[%swap3A_207], %swap3A_210 {strides = array<i32>} : memref<1280xf32, #tpu.memory_space<vmem>>, vector<16xf32>,
    %swap3A_211 = arith.constant 832 : index
    %swap3A_212 = tpu.vector_load %arg8[%swap3A_211] {strides = array<i32>} : memref<1280xf32, #tpu.memory_space<vmem>>, vector<16xf32>,
    %swap3A_213 = vector.shape_cast %swap3A_212 : vector<16xf32> to vector<16xf32>
    %swap3A_214 = vector.shape_cast %broadcast_in_dim3A_3 : vector<16xf32> to vector<16xf32>
    tpu.vector_store %arg8[%swap3A_211], %swap3A_214 {strides = array<i32>} : memref<1280xf32, #tpu.memory_space<vmem>>, vector<16xf32>,
    %swap3A_215 = arith.constant 848 : index
    %swap3A_216 = tpu.vector_load %arg8[%swap3A_215] {strides = array<i32>} : memref<1280xf32, #tpu.memory_space<vmem>>, vector<16xf32>,
    %swap3A_217 = vector.shape_cast %swap3A_216 : vector<16xf32> to vector<16xf32>
    %swap3A_218 = vector.shape_cast %broadcast_in_dim3A_3 : vector<16xf32> to vector<16xf32>
    tpu.vector_store %arg8[%swap3A_215], %swap3A_218 {strides = array<i32>} : memref<1280xf32, #tpu.memory_space<vmem>>, vector<16xf32>,
    %swap3A_219 = arith.constant 864 : index
    %swap3A_220 = tpu.vector_load %arg8[%swap3A_219] {strides = array<i32>} : memref<1280xf32, #tpu.memory_space<vmem>>, vector<16xf32>,
    %swap3A_221 = vector.shape_cast %swap3A_220 : vector<16xf32> to vector<16xf32>
    %swap3A_222 = vector.shape_cast %broadcast_in_dim3A_3 : vector<16xf32> to vector<16xf32>
    tpu.vector_store %arg8[%swap3A_219], %swap3A_222 {strides = array<i32>} : memref<1280xf32, #tpu.memory_space<vmem>>, vector<16xf32>,
    %swap3A_223 = arith.constant 880 : index
    %swap3A_224 = tpu.vector_load %arg8[%swap3A_223] {strides = array<i32>} : memref<1280xf32, #tpu.memory_space<vmem>>, vector<16xf32>,
    %swap3A_225 = vector.shape_cast %swap3A_224 : vector<16xf32> to vector<16xf32>
    %swap3A_226 = vector.shape_cast %broadcast_in_dim3A_3 : vector<16xf32> to vector<16xf32>
    tpu.vector_store %arg8[%swap3A_223], %swap3A_226 {strides = array<i32>} : memref<1280xf32, #tpu.memory_space<vmem>>, vector<16xf32>,
    %swap3A_227 = arith.constant 896 : index
    %swap3A_228 = tpu.vector_load %arg8[%swap3A_227] {strides = array<i32>} : memref<1280xf32, #tpu.memory_space<vmem>>, vector<16xf32>,
    %swap3A_229 = vector.shape_cast %swap3A_228 : vector<16xf32> to vector<16xf32>
    %swap3A_230 = vector.shape_cast %broadcast_in_dim3A_3 : vector<16xf32> to vector<16xf32>
    tpu.vector_store %arg8[%swap3A_227], %swap3A_230 {strides = array<i32>} : memref<1280xf32, #tpu.memory_space<vmem>>, vector<16xf32>,
    %swap3A_231 = arith.constant 912 : index
    %swap3A_232 = tpu.vector_load %arg8[%swap3A_231] {strides = array<i32>} : memref<1280xf32, #tpu.memory_space<vmem>>, vector<16xf32>,
    %swap3A_233 = vector.shape_cast %swap3A_232 : vector<16xf32> to vector<16xf32>
    %swap3A_234 = vector.shape_cast %broadcast_in_dim3A_3 : vector<16xf32> to vector<16xf32>
    tpu.vector_store %arg8[%swap3A_231], %swap3A_234 {strides = array<i32>} : memref<1280xf32, #tpu.memory_space<vmem>>, vector<16xf32>,
    %swap3A_235 = arith.constant 928 : index
    %swap3A_236 = tpu.vector_load %arg8[%swap3A_235] {strides = array<i32>} : memref<1280xf32, #tpu.memory_space<vmem>>, vector<16xf32>,
    %swap3A_237 = vector.shape_cast %swap3A_236 : vector<16xf32> to vector<16xf32>
    %swap3A_238 = vector.shape_cast %broadcast_in_dim3A_3 : vector<16xf32> to vector<16xf32>
    tpu.vector_store %arg8[%swap3A_235], %swap3A_238 {strides = array<i32>} : memref<1280xf32, #tpu.memory_space<vmem>>, vector<16xf32>,
    %swap3A_239 = arith.constant 944 : index
    %swap3A_240 = tpu.vector_load %arg8[%swap3A_239] {strides = array<i32>} : memref<1280xf32, #tpu.memory_space<vmem>>, vector<16xf32>,
    %swap3A_241 = vector.shape_cast %swap3A_240 : vector<16xf32> to vector<16xf32>
    %swap3A_242 = vector.shape_cast %broadcast_in_dim3A_3 : vector<16xf32> to vector<16xf32>
    tpu.vector_store %arg8[%swap3A_239], %swap3A_242 {strides = array<i32>} : memref<1280xf32, #tpu.memory_space<vmem>>, vector<16xf32>,
    %swap3A_243 = arith.constant 960 : index
    %swap3A_244 = tpu.vector_load %arg8[%swap3A_243] {strides = array<i32>} : memref<1280xf32, #tpu.memory_space<vmem>>, vector<16xf32>,
    %swap3A_245 = vector.shape_cast %swap3A_244 : vector<16xf32> to vector<16xf32>
    %swap3A_246 = vector.shape_cast %broadcast_in_dim3A_3 : vector<16xf32> to vector<16xf32>
    tpu.vector_store %arg8[%swap3A_243], %swap3A_246 {strides = array<i32>} : memref<1280xf32, #tpu.memory_space<vmem>>, vector<16xf32>,
    %swap3A_247 = arith.constant 976 : index
    %swap3A_248 = tpu.vector_load %arg8[%swap3A_247] {strides = array<i32>} : memref<1280xf32, #tpu.memory_space<vmem>>, vector<16xf32>,
    %swap3A_249 = vector.shape_cast %swap3A_248 : vector<16xf32> to vector<16xf32>
    %swap3A_250 = vector.shape_cast %broadcast_in_dim3A_3 : vector<16xf32> to vector<16xf32>
    tpu.vector_store %arg8[%swap3A_247], %swap3A_250 {strides = array<i32>} : memref<1280xf32, #tpu.memory_space<vmem>>, vector<16xf32>,
    %swap3A_251 = arith.constant 992 : index
    %swap3A_252 = tpu.vector_load %arg8[%swap3A_251] {strides = array<i32>} : memref<1280xf32, #tpu.memory_space<vmem>>, vector<16xf32>,
    %swap3A_253 = vector.shape_cast %swap3A_252 : vector<16xf32> to vector<16xf32>
    %swap3A_254 = vector.shape_cast %broadcast_in_dim3A_3 : vector<16xf32> to vector<16xf32>
    tpu.vector_store %arg8[%swap3A_251], %swap3A_254 {strides = array<i32>} : memref<1280xf32, #tpu.memory_space<vmem>>, vector<16xf32>,
    %swap3A_255 = arith.constant 1008 : index
    %swap3A_256 = tpu.vector_load %arg8[%swap3A_255] {strides = array<i32>} : memref<1280xf32, #tpu.memory_space<vmem>>, vector<16xf32>,
    %swap3A_257 = vector.shape_cast %swap3A_256 : vector<16xf32> to vector<16xf32>
    %swap3A_258 = vector.shape_cast %broadcast_in_dim3A_3 : vector<16xf32> to vector<16xf32>
    tpu.vector_store %arg8[%swap3A_255], %swap3A_258 {strides = array<i32>} : memref<1280xf32, #tpu.memory_space<vmem>>, vector<16xf32>,
    %swap3A_259 = arith.constant 1024 : index
    %swap3A_260 = tpu.vector_load %arg8[%swap3A_259] {strides = array<i32>} : memref<1280xf32, #tpu.memory_space<vmem>>, vector<16xf32>,
    %swap3A_261 = vector.shape_cast %swap3A_260 : vector<16xf32> to vector<16xf32>
    %swap3A_262 = vector.shape_cast %broadcast_in_dim3A_3 : vector<16xf32> to vector<16xf32>
    tpu.vector_store %arg8[%swap3A_259], %swap3A_262 {strides = array<i32>} : memref<1280xf32, #tpu.memory_space<vmem>>, vector<16xf32>,
    %swap3A_263 = arith.constant 1040 : index
    %swap3A_264 = tpu.vector_load %arg8[%swap3A_263] {strides = array<i32>} : memref<1280xf32, #tpu.memory_space<vmem>>, vector<16xf32>,
    %swap3A_265 = vector.shape_cast %swap3A_264 : vector<16xf32> to vector<16xf32>
    %swap3A_266 = vector.shape_cast %broadcast_in_dim3A_3 : vector<16xf32> to vector<16xf32>
    tpu.vector_store %arg8[%swap3A_263], %swap3A_266 {strides = array<i32>} : memref<1280xf32, #tpu.memory_space<vmem>>, vector<16xf32>,
    %swap3A_267 = arith.constant 1056 : index
    %swap3A_268 = tpu.vector_load %arg8[%swap3A_267] {strides = array<i32>} : memref<1280xf32, #tpu.memory_space<vmem>>, vector<16xf32>,
    %swap3A_269 = vector.shape_cast %swap3A_268 : vector<16xf32> to vector<16xf32>
    %swap3A_270 = vector.shape_cast %broadcast_in_dim3A_3 : vector<16xf32> to vector<16xf32>
    tpu.vector_store %arg8[%swap3A_267], %swap3A_270 {strides = array<i32>} : memref<1280xf32, #tpu.memory_space<vmem>>, vector<16xf32>,
    %swap3A_271 = arith.constant 1072 : index
    %swap3A_272 = tpu.vector_load %arg8[%swap3A_271] {strides = array<i32>} : memref<1280xf32, #tpu.memory_space<vmem>>, vector<16xf32>,
    %swap3A_273 = vector.shape_cast %swap3A_272 : vector<16xf32> to vector<16xf32>
    %swap3A_274 = vector.shape_cast %broadcast_in_dim3A_3 : vector<16xf32> to vector<16xf32>
    tpu.vector_store %arg8[%swap3A_271], %swap3A_274 {strides = array<i32>} : memref<1280xf32, #tpu.memory_space<vmem>>, vector<16xf32>,
    %swap3A_275 = arith.constant 1088 : index
    %swap3A_276 = tpu.vector_load %arg8[%swap3A_275] {strides = array<i32>} : memref<1280xf32, #tpu.memory_space<vmem>>, vector<16xf32>,
    %swap3A_277 = vector.shape_cast %swap3A_276 : vector<16xf32> to vector<16xf32>
    %swap3A_278 = vector.shape_cast %broadcast_in_dim3A_3 : vector<16xf32> to vector<16xf32>
    tpu.vector_store %arg8[%swap3A_275], %swap3A_278 {strides = array<i32>} : memref<1280xf32, #tpu.memory_space<vmem>>, vector<16xf32>,
    %swap3A_279 = arith.constant 1104 : index
    %swap3A_280 = tpu.vector_load %arg8[%swap3A_279] {strides = array<i32>} : memref<1280xf32, #tpu.memory_space<vmem>>, vector<16xf32>,
    %swap3A_281 = vector.shape_cast %swap3A_280 : vector<16xf32> to vector<16xf32>
    %swap3A_282 = vector.shape_cast %broadcast_in_dim3A_3 : vector<16xf32> to vector<16xf32>
    tpu.vector_store %arg8[%swap3A_279], %swap3A_282 {strides = array<i32>} : memref<1280xf32, #tpu.memory_space<vmem>>, vector<16xf32>,
    %swap3A_283 = arith.constant 1120 : index
    %swap3A_284 = tpu.vector_load %arg8[%swap3A_283] {strides = array<i32>} : memref<1280xf32, #tpu.memory_space<vmem>>, vector<16xf32>,
    %swap3A_285 = vector.shape_cast %swap3A_284 : vector<16xf32> to vector<16xf32>
    %swap3A_286 = vector.shape_cast %broadcast_in_dim3A_3 : vector<16xf32> to vector<16xf32>
    tpu.vector_store %arg8[%swap3A_283], %swap3A_286 {strides = array<i32>} : memref<1280xf32, #tpu.memory_space<vmem>>, vector<16xf32>,
    %swap3A_287 = arith.constant 1136 : index
    %swap3A_288 = tpu.vector_load %arg8[%swap3A_287] {strides = array<i32>} : memref<1280xf32, #tpu.memory_space<vmem>>, vector<16xf32>,
    %swap3A_289 = vector.shape_cast %swap3A_288 : vector<16xf32> to vector<16xf32>
    %swap3A_290 = vector.shape_cast %broadcast_in_dim3A_3 : vector<16xf32> to vector<16xf32>
    tpu.vector_store %arg8[%swap3A_287], %swap3A_290 {strides = array<i32>} : memref<1280xf32, #tpu.memory_space<vmem>>, vector<16xf32>,
    %swap3A_291 = arith.constant 1152 : index
    %swap3A_292 = tpu.vector_load %arg8[%swap3A_291] {strides = array<i32>} : memref<1280xf32, #tpu.memory_space<vmem>>, vector<16xf32>,
    %swap3A_293 = vector.shape_cast %swap3A_292 : vector<16xf32> to vector<16xf32>
    %swap3A_294 = vector.shape_cast %broadcast_in_dim3A_3 : vector<16xf32> to vector<16xf32>
    tpu.vector_store %arg8[%swap3A_291], %swap3A_294 {strides = array<i32>} : memref<1280xf32, #tpu.memory_space<vmem>>, vector<16xf32>,
    %swap3A_295 = arith.constant 1168 : index
    %swap3A_296 = tpu.vector_load %arg8[%swap3A_295] {strides = array<i32>} : memref<1280xf32, #tpu.memory_space<vmem>>, vector<16xf32>,
    %swap3A_297 = vector.shape_cast %swap3A_296 : vector<16xf32> to vector<16xf32>
    %swap3A_298 = vector.shape_cast %broadcast_in_dim3A_3 : vector<16xf32> to vector<16xf32>
    tpu.vector_store %arg8[%swap3A_295], %swap3A_298 {strides = array<i32>} : memref<1280xf32, #tpu.memory_space<vmem>>, vector<16xf32>,
    %swap3A_299 = arith.constant 1184 : index
    %swap3A_300 = tpu.vector_load %arg8[%swap3A_299] {strides = array<i32>} : memref<1280xf32, #tpu.memory_space<vmem>>, vector<16xf32>,
    %swap3A_301 = vector.shape_cast %swap3A_300 : vector<16xf32> to vector<16xf32>
    %swap3A_302 = vector.shape_cast %broadcast_in_dim3A_3 : vector<16xf32> to vector<16xf32>
    tpu.vector_store %arg8[%swap3A_299], %swap3A_302 {strides = array<i32>} : memref<1280xf32, #tpu.memory_space<vmem>>, vector<16xf32>,
    %swap3A_303 = arith.constant 1200 : index
    %swap3A_304 = tpu.vector_load %arg8[%swap3A_303] {strides = array<i32>} : memref<1280xf32, #tpu.memory_space<vmem>>, vector<16xf32>,
    %swap3A_305 = vector.shape_cast %swap3A_304 : vector<16xf32> to vector<16xf32>
    %swap3A_306 = vector.shape_cast %broadcast_in_dim3A_3 : vector<16xf32> to vector<16xf32>
    tpu.vector_store %arg8[%swap3A_303], %swap3A_306 {strides = array<i32>} : memref<1280xf32, #tpu.memory_space<vmem>>, vector<16xf32>,
    %swap3A_307 = arith.constant 1216 : index
    %swap3A_308 = tpu.vector_load %arg8[%swap3A_307] {strides = array<i32>} : memref<1280xf32, #tpu.memory_space<vmem>>, vector<16xf32>,
    %swap3A_309 = vector.shape_cast %swap3A_308 : vector<16xf32> to vector<16xf32>
    %swap3A_310 = vector.shape_cast %broadcast_in_dim3A_3 : vector<16xf32> to vector<16xf32>
    tpu.vector_store %arg8[%swap3A_307], %swap3A_310 {strides = array<i32>} : memref<1280xf32, #tpu.memory_space<vmem>>, vector<16xf32>,
    %swap3A_311 = arith.constant 1232 : index
    %swap3A_312 = tpu.vector_load %arg8[%swap3A_311] {strides = array<i32>} : memref<1280xf32, #tpu.memory_space<vmem>>, vector<16xf32>,
    %swap3A_313 = vector.shape_cast %swap3A_312 : vector<16xf32> to vector<16xf32>
    %swap3A_314 = vector.shape_cast %broadcast_in_dim3A_3 : vector<16xf32> to vector<16xf32>
    tpu.vector_store %arg8[%swap3A_311], %swap3A_314 {strides = array<i32>} : memref<1280xf32, #tpu.memory_space<vmem>>, vector<16xf32>,
    %swap3A_315 = arith.constant 1248 : index
    %swap3A_316 = tpu.vector_load %arg8[%swap3A_315] {strides = array<i32>} : memref<1280xf32, #tpu.memory_space<vmem>>, vector<16xf32>,
    %swap3A_317 = vector.shape_cast %swap3A_316 : vector<16xf32> to vector<16xf32>
    %swap3A_318 = vector.shape_cast %broadcast_in_dim3A_3 : vector<16xf32> to vector<16xf32>
    tpu.vector_store %arg8[%swap3A_315], %swap3A_318 {strides = array<i32>} : memref<1280xf32, #tpu.memory_space<vmem>>, vector<16xf32>,
    %swap3A_319 = arith.constant 1264 : index
    %swap3A_320 = tpu.vector_load %arg8[%swap3A_319] {strides = array<i32>} : memref<1280xf32, #tpu.memory_space<vmem>>, vector<16xf32>,
    %swap3A_321 = vector.shape_cast %swap3A_320 : vector<16xf32> to vector<16xf32>
    %swap3A_322 = vector.shape_cast %broadcast_in_dim3A_3 : vector<16xf32> to vector<16xf32>
    tpu.vector_store %arg8[%swap3A_319], %swap3A_322 {strides = array<i32>} : memref<1280xf32, #tpu.memory_space<vmem>>, vector<16xf32>,
    %add3A_323 = arith.constant 0 : i32
    %add3A_324 = arith.addi %mul3A_2, %add3A_323 : i32
    "tpu.region"() ({
      %run_scoped3A = tpu.sem_alloc : memref<!tpu.dma_semaphore, #tpu.memory_space<semaphore_mem>>
      %dma_start3A = tpu.memref_slice %arg9[%add3A_324] : memref<161792xf32, #tpu.memory_space<vmem_shared>> -> memref<1280xf32, #tpu.memory_space<vmem_shared>>
      %dma_start3A_350 = tpu.memref_slice %arg9[%add3A_324] : memref<161792xf32, #tpu.memory_space<vmem_shared>> -> memref<1280xf32, #tpu.memory_space<vmem_shared>>
      tpu.enqueue_dma source(%arg8 : memref<1280xf32, #tpu.memory_space<vmem>>) target(%dma_start3A_350 : memref<1280xf32, #tpu.memory_space<vmem_shared>>) target_semaphore(%run_scoped3A : memref<!tpu.dma_semaphore, #tpu.memory_space<semaphore_mem>>)
      %dma_wait3A = tpu.memref_slice %arg9[%add3A_324] : memref<161792xf32, #tpu.memory_space<vmem_shared>> -> memref<1280xf32, #tpu.memory_space<vmem_shared>>
      %dma_wait3A_351 = tpu.memref_slice %arg9[%add3A_324] : memref<161792xf32, #tpu.memory_space<vmem_shared>> -> memref<1280xf32, #tpu.memory_space<vmem_shared>>
      tpu.wait_dma2 semaphore(%run_scoped3A : memref<!tpu.dma_semaphore, #tpu.memory_space<semaphore_mem>>) src(%arg8 : memref<1280xf32, #tpu.memory_space<vmem>>) dst(%dma_wait3A_351 : memref<1280xf32, #tpu.memory_space<vmem_shared>>)
      tpu.yield
    }) : () -> ()
    %add3A_325 = arith.constant 1280 : i32
    %add3A_326 = arith.addi %mul3A_2, %add3A_325 : i32
    "tpu.region"() ({
      %run_scoped3A = tpu.sem_alloc : memref<!tpu.dma_semaphore, #tpu.memory_space<semaphore_mem>>
      %dma_start3A = tpu.memref_slice %arg9[%add3A_326] : memref<161792xf32, #tpu.memory_space<vmem_shared>> -> memref<1280xf32, #tpu.memory_space<vmem_shared>>
      %dma_start3A_350 = tpu.memref_slice %arg9[%add3A_326] : memref<161792xf32, #tpu.memory_space<vmem_shared>> -> memref<1280xf32, #tpu.memory_space<vmem_shared>>
      tpu.enqueue_dma source(%arg8 : memref<1280xf32, #tpu.memory_space<vmem>>) target(%dma_start3A_350 : memref<1280xf32, #tpu.memory_space<vmem_shared>>) target_semaphore(%run_scoped3A : memref<!tpu.dma_semaphore, #tpu.memory_space<semaphore_mem>>)
      %dma_wait3A = tpu.memref_slice %arg9[%add3A_326] : memref<161792xf32, #tpu.memory_space<vmem_shared>> -> memref<1280xf32, #tpu.memory_space<vmem_shared>>
      %dma_wait3A_351 = tpu.memref_slice %arg9[%add3A_326] : memref<161792xf32, #tpu.memory_space<vmem_shared>> -> memref<1280xf32, #tpu.memory_space<vmem_shared>>
      tpu.wait_dma2 semaphore(%run_scoped3A : memref<!tpu.dma_semaphore, #tpu.memory_space<semaphore_mem>>) src(%arg8 : memref<1280xf32, #tpu.memory_space<vmem>>) dst(%dma_wait3A_351 : memref<1280xf32, #tpu.memory_space<vmem_shared>>)
      tpu.yield
    }) : () -> ()
    %add3A_327 = arith.constant 2560 : i32
    %add3A_328 = arith.addi %mul3A_2, %add3A_327 : i32
    "tpu.region"() ({
      %run_scoped3A = tpu.sem_alloc : memref<!tpu.dma_semaphore, #tpu.memory_space<semaphore_mem>>
      %dma_start3A = tpu.memref_slice %arg9[%add3A_328] : memref<161792xf32, #tpu.memory_space<vmem_shared>> -> memref<1280xf32, #tpu.memory_space<vmem_shared>>
      %dma_start3A_350 = tpu.memref_slice %arg9[%add3A_328] : memref<161792xf32, #tpu.memory_space<vmem_shared>> -> memref<1280xf32, #tpu.memory_space<vmem_shared>>
      tpu.enqueue_dma source(%arg8 : memref<1280xf32, #tpu.memory_space<vmem>>) target(%dma_start3A_350 : memref<1280xf32, #tpu.memory_space<vmem_shared>>) target_semaphore(%run_scoped3A : memref<!tpu.dma_semaphore, #tpu.memory_space<semaphore_mem>>)
      %dma_wait3A = tpu.memref_slice %arg9[%add3A_328] : memref<161792xf32, #tpu.memory_space<vmem_shared>> -> memref<1280xf32, #tpu.memory_space<vmem_shared>>
      %dma_wait3A_351 = tpu.memref_slice %arg9[%add3A_328] : memref<161792xf32, #tpu.memory_space<vmem_shared>> -> memref<1280xf32, #tpu.memory_space<vmem_shared>>
      tpu.wait_dma2 semaphore(%run_scoped3A : memref<!tpu.dma_semaphore, #tpu.memory_space<semaphore_mem>>) src(%arg8 : memref<1280xf32, #tpu.memory_space<vmem>>) dst(%dma_wait3A_351 : memref<1280xf32, #tpu.memory_space<vmem_shared>>)
      tpu.yield
    }) : () -> ()
    %add3A_329 = arith.constant 3840 : i32
    %add3A_330 = arith.addi %mul3A_2, %add3A_329 : i32
    "tpu.region"() ({
      %run_scoped3A = tpu.sem_alloc : memref<!tpu.dma_semaphore, #tpu.memory_space<semaphore_mem>>
      %dma_start3A = tpu.memref_slice %arg9[%add3A_330] : memref<161792xf32, #tpu.memory_space<vmem_shared>> -> memref<1280xf32, #tpu.memory_space<vmem_shared>>
      %dma_start3A_350 = tpu.memref_slice %arg9[%add3A_330] : memref<161792xf32, #tpu.memory_space<vmem_shared>> -> memref<1280xf32, #tpu.memory_space<vmem_shared>>
      tpu.enqueue_dma source(%arg8 : memref<1280xf32, #tpu.memory_space<vmem>>) target(%dma_start3A_350 : memref<1280xf32, #tpu.memory_space<vmem_shared>>) target_semaphore(%run_scoped3A : memref<!tpu.dma_semaphore, #tpu.memory_space<semaphore_mem>>)
      %dma_wait3A = tpu.memref_slice %arg9[%add3A_330] : memref<161792xf32, #tpu.memory_space<vmem_shared>> -> memref<1280xf32, #tpu.memory_space<vmem_shared>>
      %dma_wait3A_351 = tpu.memref_slice %arg9[%add3A_330] : memref<161792xf32, #tpu.memory_space<vmem_shared>> -> memref<1280xf32, #tpu.memory_space<vmem_shared>>
      tpu.wait_dma2 semaphore(%run_scoped3A : memref<!tpu.dma_semaphore, #tpu.memory_space<semaphore_mem>>) src(%arg8 : memref<1280xf32, #tpu.memory_space<vmem>>) dst(%dma_wait3A_351 : memref<1280xf32, #tpu.memory_space<vmem_shared>>)
      tpu.yield
    }) : () -> ()
    %add3A_331 = arith.constant 5120 : i32
    %add3A_332 = arith.addi %mul3A_2, %add3A_331 : i32
    "tpu.region"() ({
      %run_scoped3A = tpu.sem_alloc : memref<!tpu.dma_semaphore, #tpu.memory_space<semaphore_mem>>
      %dma_start3A = tpu.memref_slice %arg9[%add3A_332] : memref<161792xf32, #tpu.memory_space<vmem_shared>> -> memref<1280xf32, #tpu.memory_space<vmem_shared>>
      %dma_start3A_350 = tpu.memref_slice %arg9[%add3A_332] : memref<161792xf32, #tpu.memory_space<vmem_shared>> -> memref<1280xf32, #tpu.memory_space<vmem_shared>>
      tpu.enqueue_dma source(%arg8 : memref<1280xf32, #tpu.memory_space<vmem>>) target(%dma_start3A_350 : memref<1280xf32, #tpu.memory_space<vmem_shared>>) target_semaphore(%run_scoped3A : memref<!tpu.dma_semaphore, #tpu.memory_space<semaphore_mem>>)
      %dma_wait3A = tpu.memref_slice %arg9[%add3A_332] : memref<161792xf32, #tpu.memory_space<vmem_shared>> -> memref<1280xf32, #tpu.memory_space<vmem_shared>>
      %dma_wait3A_351 = tpu.memref_slice %arg9[%add3A_332] : memref<161792xf32, #tpu.memory_space<vmem_shared>> -> memref<1280xf32, #tpu.memory_space<vmem_shared>>
      tpu.wait_dma2 semaphore(%run_scoped3A : memref<!tpu.dma_semaphore, #tpu.memory_space<semaphore_mem>>) src(%arg8 : memref<1280xf32, #tpu.memory_space<vmem>>) dst(%dma_wait3A_351 : memref<1280xf32, #tpu.memory_space<vmem_shared>>)
      tpu.yield
    }) : () -> ()
    %add3A_333 = arith.constant 6400 : i32
    %add3A_334 = arith.addi %mul3A_2, %add3A_333 : i32
    "tpu.region"() ({
      %run_scoped3A = tpu.sem_alloc : memref<!tpu.dma_semaphore, #tpu.memory_space<semaphore_mem>>
      %dma_start3A = tpu.memref_slice %arg9[%add3A_334] : memref<161792xf32, #tpu.memory_space<vmem_shared>> -> memref<1280xf32, #tpu.memory_space<vmem_shared>>
      %dma_start3A_350 = tpu.memref_slice %arg9[%add3A_334] : memref<161792xf32, #tpu.memory_space<vmem_shared>> -> memref<1280xf32, #tpu.memory_space<vmem_shared>>
      tpu.enqueue_dma source(%arg8 : memref<1280xf32, #tpu.memory_space<vmem>>) target(%dma_start3A_350 : memref<1280xf32, #tpu.memory_space<vmem_shared>>) target_semaphore(%run_scoped3A : memref<!tpu.dma_semaphore, #tpu.memory_space<semaphore_mem>>)
      %dma_wait3A = tpu.memref_slice %arg9[%add3A_334] : memref<161792xf32, #tpu.memory_space<vmem_shared>> -> memref<1280xf32, #tpu.memory_space<vmem_shared>>
      %dma_wait3A_351 = tpu.memref_slice %arg9[%add3A_334] : memref<161792xf32, #tpu.memory_space<vmem_shared>> -> memref<1280xf32, #tpu.memory_space<vmem_shared>>
      tpu.wait_dma2 semaphore(%run_scoped3A : memref<!tpu.dma_semaphore, #tpu.memory_space<semaphore_mem>>) src(%arg8 : memref<1280xf32, #tpu.memory_space<vmem>>) dst(%dma_wait3A_351 : memref<1280xf32, #tpu.memory_space<vmem_shared>>)
      tpu.yield
    }) : () -> ()
    %add3A_335 = arith.constant 7680 : i32
    %add3A_336 = arith.addi %mul3A_2, %add3A_335 : i32
    "tpu.region"() ({
      %run_scoped3A = tpu.sem_alloc : memref<!tpu.dma_semaphore, #tpu.memory_space<semaphore_mem>>
      %dma_start3A = tpu.memref_slice %arg9[%add3A_336] : memref<161792xf32, #tpu.memory_space<vmem_shared>> -> memref<1280xf32, #tpu.memory_space<vmem_shared>>
      %dma_start3A_350 = tpu.memref_slice %arg9[%add3A_336] : memref<161792xf32, #tpu.memory_space<vmem_shared>> -> memref<1280xf32, #tpu.memory_space<vmem_shared>>
      tpu.enqueue_dma source(%arg8 : memref<1280xf32, #tpu.memory_space<vmem>>) target(%dma_start3A_350 : memref<1280xf32, #tpu.memory_space<vmem_shared>>) target_semaphore(%run_scoped3A : memref<!tpu.dma_semaphore, #tpu.memory_space<semaphore_mem>>)
      %dma_wait3A = tpu.memref_slice %arg9[%add3A_336] : memref<161792xf32, #tpu.memory_space<vmem_shared>> -> memref<1280xf32, #tpu.memory_space<vmem_shared>>
      %dma_wait3A_351 = tpu.memref_slice %arg9[%add3A_336] : memref<161792xf32, #tpu.memory_space<vmem_shared>> -> memref<1280xf32, #tpu.memory_space<vmem_shared>>
      tpu.wait_dma2 semaphore(%run_scoped3A : memref<!tpu.dma_semaphore, #tpu.memory_space<semaphore_mem>>) src(%arg8 : memref<1280xf32, #tpu.memory_space<vmem>>) dst(%dma_wait3A_351 : memref<1280xf32, #tpu.memory_space<vmem_shared>>)
      tpu.yield
    }) : () -> ()
    %add3A_337 = arith.constant 8960 : i32
    %add3A_338 = arith.addi %mul3A_2, %add3A_337 : i32
    "tpu.region"() ({
      %run_scoped3A = tpu.sem_alloc : memref<!tpu.dma_semaphore, #tpu.memory_space<semaphore_mem>>
      %dma_start3A = arith.constant 0 : i32
      %dma_start3A_350 = tpu.memref_slice %arg8[%dma_start3A] : memref<1280xf32, #tpu.memory_space<vmem>> -> memref<1152xf32, #tpu.memory_space<vmem>>
      %dma_start3A_351 = tpu.memref_slice %arg9[%add3A_338] : memref<161792xf32, #tpu.memory_space<vmem_shared>> -> memref<1152xf32, #tpu.memory_space<vmem_shared>>
      %dma_start3A_352 = tpu.memref_slice %arg9[%add3A_338] : memref<161792xf32, #tpu.memory_space<vmem_shared>> -> memref<1152xf32, #tpu.memory_space<vmem_shared>>
      %dma_start3A_353 = arith.constant 0 : i32
      %dma_start3A_354 = tpu.memref_slice %arg8[%dma_start3A_353] : memref<1280xf32, #tpu.memory_space<vmem>> -> memref<1152xf32, #tpu.memory_space<vmem>>
      tpu.enqueue_dma source(%dma_start3A_354 : memref<1152xf32, #tpu.memory_space<vmem>>) target(%dma_start3A_352 : memref<1152xf32, #tpu.memory_space<vmem_shared>>) target_semaphore(%run_scoped3A : memref<!tpu.dma_semaphore, #tpu.memory_space<semaphore_mem>>)
      %dma_wait3A = arith.constant 0 : i32
      %dma_wait3A_355 = tpu.memref_slice %arg8[%dma_wait3A] : memref<1280xf32, #tpu.memory_space<vmem>> -> memref<1152xf32, #tpu.memory_space<vmem>>
      %dma_wait3A_356 = tpu.memref_slice %arg9[%add3A_338] : memref<161792xf32, #tpu.memory_space<vmem_shared>> -> memref<1152xf32, #tpu.memory_space<vmem_shared>>
      %dma_wait3A_357 = tpu.memref_slice %arg9[%add3A_338] : memref<161792xf32, #tpu.memory_space<vmem_shared>> -> memref<1152xf32, #tpu.memory_space<vmem_shared>>
      %dma_wait3A_358 = arith.constant 0 : i32
      %dma_wait3A_359 = tpu.memref_slice %arg8[%dma_wait3A_358] : memref<1280xf32, #tpu.memory_space<vmem>> -> memref<1152xf32, #tpu.memory_space<vmem>>
      tpu.wait_dma2 semaphore(%run_scoped3A : memref<!tpu.dma_semaphore, #tpu.memory_space<semaphore_mem>>) src(%dma_wait3A_359 : memref<1152xf32, #tpu.memory_space<vmem>>) dst(%dma_wait3A_357 : memref<1152xf32, #tpu.memory_space<vmem_shared>>)
      tpu.yield
    }) : () -> ()
    %barrier3A = arith.constant 0 : index
    tpu.barrier barrier_id(%barrier3A)
    %iota3A = tpu.iota {dimensions = array<i32: 0>} : vector<16xi32>
    %scan3A = arith.constant 0 : i32
    %scan3A_339 = arith.constant 0 : i32
    %scan3A_340 = arith.constant 125 : i32
    %scan3A_341 = arith.addi %scan3A_339, %scan3A_340 : i32
    %scan3A_342 = arith.constant 1 : i32
    scf.for %scan3A_350 = %scan3A_339 to %scan3A_341 step %scan3A_342  : i32 {
      %mul3A_351 = arith.constant 125 : i32
      %mul3A_352 = arith.muli %add3A, %mul3A_351 : i32
      %add3A_353 = arith.addi %mul3A_352, %scan3A_350 : i32
      %mul3A_354 = arith.constant 16 : i32
      %mul3A_355 = arith.muli %add3A_353, %mul3A_354 : i32
      %add3A_356 = vector.broadcast %mul3A_355 : i32 to vector<16xi32>
      %add3A_357 = arith.addi %iota3A, %add3A_356 : vector<16xi32>
      %swap3A_358 = arith.constant 0 : index
      %swap3A_359 = tpu.vector_load %arg7[%swap3A_358] {strides = array<i32>} : memref<16xi32, #tpu.memory_space<vmem>>, vector<16xi32>,
      %swap3A_360 = vector.shape_cast %swap3A_359 : vector<16xi32> to vector<16xi32>
      %swap3A_361 = vector.shape_cast %add3A_357 : vector<16xi32> to vector<16xi32>
      tpu.vector_store %arg7[%swap3A_358], %swap3A_361 {strides = array<i32>} : memref<16xi32, #tpu.memory_space<vmem>>, vector<16xi32>,
      %dma_start3A = arith.constant 0 : i32
      %dma_start3A_362 = arith.constant 0 : i32
      %dma_start3A_363 = tpu.memref_slice %arg2[%dma_start3A, %dma_start3A_362] : memref<64000x128xf32, #tpu.memory_space<hbm>> -> memref<64000x128xf32, #tpu.memory_space<hbm>>
      tpu.enqueue_indirect_dma source(%dma_start3A_363 : memref<64000x128xf32, #tpu.memory_space<hbm>>) target(%arg5 : memref<16x128xf32, #tpu.memory_space<vmem>>) offsets(%arg7 : memref<16xi32, #tpu.memory_space<vmem>>) semaphore(%arg10 : memref<!tpu.dma_semaphore, #tpu.memory_space<semaphore_mem>>)
      %dma_start3A_364 = arith.constant 0 : i32
      %dma_start3A_365 = arith.constant 0 : i32
      %dma_start3A_366 = tpu.memref_slice %arg3[%dma_start3A_364, %dma_start3A_365] : memref<64000x128xi32, #tpu.memory_space<hbm>> -> memref<64000x128xi32, #tpu.memory_space<hbm>>
      tpu.enqueue_indirect_dma source(%dma_start3A_366 : memref<64000x128xi32, #tpu.memory_space<hbm>>) target(%arg6 : memref<16x128xi32, #tpu.memory_space<vmem>>) offsets(%arg7 : memref<16xi32, #tpu.memory_space<vmem>>) semaphore(%arg11 : memref<!tpu.dma_semaphore, #tpu.memory_space<semaphore_mem>>)
      %dma_wait3A = arith.constant 0 : i32
      %dma_wait3A_367 = arith.constant 0 : i32
      %dma_wait3A_368 = tpu.memref_slice %arg2[%dma_wait3A, %dma_wait3A_367] : memref<64000x128xf32, #tpu.memory_space<hbm>> -> memref<64000x128xf32, #tpu.memory_space<hbm>>
      tpu.wait_indirect_dma semaphore(%arg10 : memref<!tpu.dma_semaphore, #tpu.memory_space<semaphore_mem>>) src(%dma_wait3A_368 : memref<64000x128xf32, #tpu.memory_space<hbm>>) dst(%arg5 : memref<16x128xf32, #tpu.memory_space<vmem>>)
      %dma_wait3A_369 = arith.constant 0 : i32
      %dma_wait3A_370 = arith.constant 0 : i32
      %dma_wait3A_371 = tpu.memref_slice %arg3[%dma_wait3A_369, %dma_wait3A_370] : memref<64000x128xi32, #tpu.memory_space<hbm>> -> memref<64000x128xi32, #tpu.memory_space<hbm>>
      tpu.wait_indirect_dma semaphore(%arg11 : memref<!tpu.dma_semaphore, #tpu.memory_space<semaphore_mem>>) src(%dma_wait3A_371 : memref<64000x128xi32, #tpu.memory_space<hbm>>) dst(%arg6 : memref<16x128xi32, #tpu.memory_space<vmem>>)
      %dma_start3A_372 = arith.constant 0 : i32
      %dma_start3A_373 = arith.constant 0 : i32
      %dma_start3A_374 = arith.constant 0 : i32
      %dma_start3A_375 = tpu.memref_slice %arg5[%dma_start3A_372, %dma_start3A_374] : memref<16x128xf32, #tpu.memory_space<vmem>> -> memref<1x128xf32, #tpu.memory_space<vmem>>
      %dma_start3A_376 = tpu.memref_squeeze %dma_start3A_375 : memref<1x128xf32, #tpu.memory_space<vmem>> -> memref<128xf32, #tpu.memory_space<vmem>>
      %dma_start3A_377 = arith.constant 0 : i32
      %dma_start3A_378 = tpu.memref_slice %arg6[%dma_start3A_373, %dma_start3A_377] : memref<16x128xi32, #tpu.memory_space<vmem>> -> memref<1x128xi32, #tpu.memory_space<vmem>>
      %dma_start3A_379 = tpu.memref_squeeze %dma_start3A_378 : memref<1x128xi32, #tpu.memory_space<vmem>> -> memref<128xi32, #tpu.memory_space<vmem>>
      %dma_start3A_380 = arith.constant 0 : i32
      %dma_start3A_381 = tpu.memref_slice %arg9[%dma_start3A_380] : memref<161792xf32, #tpu.memory_space<vmem_shared>> -> memref<161792xf32, #tpu.memory_space<vmem_shared>>
      tpu.enqueue_indirect_dma source(%dma_start3A_376 : memref<128xf32, #tpu.memory_space<vmem>>) target(%dma_start3A_381 : memref<161792xf32, #tpu.memory_space<vmem_shared>>) offsets(%dma_start3A_379 : memref<128xi32, #tpu.memory_space<vmem>>) semaphore(%arg10 : memref<!tpu.dma_semaphore, #tpu.memory_space<semaphore_mem>>) {add = true}
      %dma_start3A_382 = arith.constant 1 : i32
      %dma_start3A_383 = arith.constant 1 : i32
      %dma_start3A_384 = arith.constant 0 : i32
      %dma_start3A_385 = tpu.memref_slice %arg5[%dma_start3A_382, %dma_start3A_384] : memref<16x128xf32, #tpu.memory_space<vmem>> -> memref<1x128xf32, #tpu.memory_space<vmem>>
      %dma_start3A_386 = tpu.memref_squeeze %dma_start3A_385 : memref<1x128xf32, #tpu.memory_space<vmem>> -> memref<128xf32, #tpu.memory_space<vmem>>
      %dma_start3A_387 = arith.constant 0 : i32
      %dma_start3A_388 = tpu.memref_slice %arg6[%dma_start3A_383, %dma_start3A_387] : memref<16x128xi32, #tpu.memory_space<vmem>> -> memref<1x128xi32, #tpu.memory_space<vmem>>
      %dma_start3A_389 = tpu.memref_squeeze %dma_start3A_388 : memref<1x128xi32, #tpu.memory_space<vmem>> -> memref<128xi32, #tpu.memory_space<vmem>>
      %dma_start3A_390 = arith.constant 0 : i32
      %dma_start3A_391 = tpu.memref_slice %arg9[%dma_start3A_390] : memref<161792xf32, #tpu.memory_space<vmem_shared>> -> memref<161792xf32, #tpu.memory_space<vmem_shared>>
      tpu.enqueue_indirect_dma source(%dma_start3A_386 : memref<128xf32, #tpu.memory_space<vmem>>) target(%dma_start3A_391 : memref<161792xf32, #tpu.memory_space<vmem_shared>>) offsets(%dma_start3A_389 : memref<128xi32, #tpu.memory_space<vmem>>) semaphore(%arg10 : memref<!tpu.dma_semaphore, #tpu.memory_space<semaphore_mem>>) {add = true}
      %dma_start3A_392 = arith.constant 2 : i32
      %dma_start3A_393 = arith.constant 2 : i32
      %dma_start3A_394 = arith.constant 0 : i32
      %dma_start3A_395 = tpu.memref_slice %arg5[%dma_start3A_392, %dma_start3A_394] : memref<16x128xf32, #tpu.memory_space<vmem>> -> memref<1x128xf32, #tpu.memory_space<vmem>>
      %dma_start3A_396 = tpu.memref_squeeze %dma_start3A_395 : memref<1x128xf32, #tpu.memory_space<vmem>> -> memref<128xf32, #tpu.memory_space<vmem>>
      %dma_start3A_397 = arith.constant 0 : i32
      %dma_start3A_398 = tpu.memref_slice %arg6[%dma_start3A_393, %dma_start3A_397] : memref<16x128xi32, #tpu.memory_space<vmem>> -> memref<1x128xi32, #tpu.memory_space<vmem>>
      %dma_start3A_399 = tpu.memref_squeeze %dma_start3A_398 : memref<1x128xi32, #tpu.memory_space<vmem>> -> memref<128xi32, #tpu.memory_space<vmem>>
      %dma_start3A_400 = arith.constant 0 : i32
      %dma_start3A_401 = tpu.memref_slice %arg9[%dma_start3A_400] : memref<161792xf32, #tpu.memory_space<vmem_shared>> -> memref<161792xf32, #tpu.memory_space<vmem_shared>>
      tpu.enqueue_indirect_dma source(%dma_start3A_396 : memref<128xf32, #tpu.memory_space<vmem>>) target(%dma_start3A_401 : memref<161792xf32, #tpu.memory_space<vmem_shared>>) offsets(%dma_start3A_399 : memref<128xi32, #tpu.memory_space<vmem>>) semaphore(%arg10 : memref<!tpu.dma_semaphore, #tpu.memory_space<semaphore_mem>>) {add = true}
      %dma_start3A_402 = arith.constant 3 : i32
      %dma_start3A_403 = arith.constant 3 : i32
      %dma_start3A_404 = arith.constant 0 : i32
      %dma_start3A_405 = tpu.memref_slice %arg5[%dma_start3A_402, %dma_start3A_404] : memref<16x128xf32, #tpu.memory_space<vmem>> -> memref<1x128xf32, #tpu.memory_space<vmem>>
      %dma_start3A_406 = tpu.memref_squeeze %dma_start3A_405 : memref<1x128xf32, #tpu.memory_space<vmem>> -> memref<128xf32, #tpu.memory_space<vmem>>
      %dma_start3A_407 = arith.constant 0 : i32
      %dma_start3A_408 = tpu.memref_slice %arg6[%dma_start3A_403, %dma_start3A_407] : memref<16x128xi32, #tpu.memory_space<vmem>> -> memref<1x128xi32, #tpu.memory_space<vmem>>
      %dma_start3A_409 = tpu.memref_squeeze %dma_start3A_408 : memref<1x128xi32, #tpu.memory_space<vmem>> -> memref<128xi32, #tpu.memory_space<vmem>>
      %dma_start3A_410 = arith.constant 0 : i32
      %dma_start3A_411 = tpu.memref_slice %arg9[%dma_start3A_410] : memref<161792xf32, #tpu.memory_space<vmem_shared>> -> memref<161792xf32, #tpu.memory_space<vmem_shared>>
      tpu.enqueue_indirect_dma source(%dma_start3A_406 : memref<128xf32, #tpu.memory_space<vmem>>) target(%dma_start3A_411 : memref<161792xf32, #tpu.memory_space<vmem_shared>>) offsets(%dma_start3A_409 : memref<128xi32, #tpu.memory_space<vmem>>) semaphore(%arg10 : memref<!tpu.dma_semaphore, #tpu.memory_space<semaphore_mem>>) {add = true}
      %dma_start3A_412 = arith.constant 4 : i32
      %dma_start3A_413 = arith.constant 4 : i32
      %dma_start3A_414 = arith.constant 0 : i32
      %dma_start3A_415 = tpu.memref_slice %arg5[%dma_start3A_412, %dma_start3A_414] : memref<16x128xf32, #tpu.memory_space<vmem>> -> memref<1x128xf32, #tpu.memory_space<vmem>>
      %dma_start3A_416 = tpu.memref_squeeze %dma_start3A_415 : memref<1x128xf32, #tpu.memory_space<vmem>> -> memref<128xf32, #tpu.memory_space<vmem>>
      %dma_start3A_417 = arith.constant 0 : i32
      %dma_start3A_418 = tpu.memref_slice %arg6[%dma_start3A_413, %dma_start3A_417] : memref<16x128xi32, #tpu.memory_space<vmem>> -> memref<1x128xi32, #tpu.memory_space<vmem>>
      %dma_start3A_419 = tpu.memref_squeeze %dma_start3A_418 : memref<1x128xi32, #tpu.memory_space<vmem>> -> memref<128xi32, #tpu.memory_space<vmem>>
      %dma_start3A_420 = arith.constant 0 : i32
      %dma_start3A_421 = tpu.memref_slice %arg9[%dma_start3A_420] : memref<161792xf32, #tpu.memory_space<vmem_shared>> -> memref<161792xf32, #tpu.memory_space<vmem_shared>>
      tpu.enqueue_indirect_dma source(%dma_start3A_416 : memref<128xf32, #tpu.memory_space<vmem>>) target(%dma_start3A_421 : memref<161792xf32, #tpu.memory_space<vmem_shared>>) offsets(%dma_start3A_419 : memref<128xi32, #tpu.memory_space<vmem>>) semaphore(%arg10 : memref<!tpu.dma_semaphore, #tpu.memory_space<semaphore_mem>>) {add = true}
      %dma_start3A_422 = arith.constant 5 : i32
      %dma_start3A_423 = arith.constant 5 : i32
      %dma_start3A_424 = arith.constant 0 : i32
      %dma_start3A_425 = tpu.memref_slice %arg5[%dma_start3A_422, %dma_start3A_424] : memref<16x128xf32, #tpu.memory_space<vmem>> -> memref<1x128xf32, #tpu.memory_space<vmem>>
      %dma_start3A_426 = tpu.memref_squeeze %dma_start3A_425 : memref<1x128xf32, #tpu.memory_space<vmem>> -> memref<128xf32, #tpu.memory_space<vmem>>
      %dma_start3A_427 = arith.constant 0 : i32
      %dma_start3A_428 = tpu.memref_slice %arg6[%dma_start3A_423, %dma_start3A_427] : memref<16x128xi32, #tpu.memory_space<vmem>> -> memref<1x128xi32, #tpu.memory_space<vmem>>
      %dma_start3A_429 = tpu.memref_squeeze %dma_start3A_428 : memref<1x128xi32, #tpu.memory_space<vmem>> -> memref<128xi32, #tpu.memory_space<vmem>>
      %dma_start3A_430 = arith.constant 0 : i32
      %dma_start3A_431 = tpu.memref_slice %arg9[%dma_start3A_430] : memref<161792xf32, #tpu.memory_space<vmem_shared>> -> memref<161792xf32, #tpu.memory_space<vmem_shared>>
      tpu.enqueue_indirect_dma source(%dma_start3A_426 : memref<128xf32, #tpu.memory_space<vmem>>) target(%dma_start3A_431 : memref<161792xf32, #tpu.memory_space<vmem_shared>>) offsets(%dma_start3A_429 : memref<128xi32, #tpu.memory_space<vmem>>) semaphore(%arg10 : memref<!tpu.dma_semaphore, #tpu.memory_space<semaphore_mem>>) {add = true}
      %dma_start3A_432 = arith.constant 6 : i32
      %dma_start3A_433 = arith.constant 6 : i32
      %dma_start3A_434 = arith.constant 0 : i32
      %dma_start3A_435 = tpu.memref_slice %arg5[%dma_start3A_432, %dma_start3A_434] : memref<16x128xf32, #tpu.memory_space<vmem>> -> memref<1x128xf32, #tpu.memory_space<vmem>>
      %dma_start3A_436 = tpu.memref_squeeze %dma_start3A_435 : memref<1x128xf32, #tpu.memory_space<vmem>> -> memref<128xf32, #tpu.memory_space<vmem>>
      %dma_start3A_437 = arith.constant 0 : i32
      %dma_start3A_438 = tpu.memref_slice %arg6[%dma_start3A_433, %dma_start3A_437] : memref<16x128xi32, #tpu.memory_space<vmem>> -> memref<1x128xi32, #tpu.memory_space<vmem>>
      %dma_start3A_439 = tpu.memref_squeeze %dma_start3A_438 : memref<1x128xi32, #tpu.memory_space<vmem>> -> memref<128xi32, #tpu.memory_space<vmem>>
      %dma_start3A_440 = arith.constant 0 : i32
      %dma_start3A_441 = tpu.memref_slice %arg9[%dma_start3A_440] : memref<161792xf32, #tpu.memory_space<vmem_shared>> -> memref<161792xf32, #tpu.memory_space<vmem_shared>>
      tpu.enqueue_indirect_dma source(%dma_start3A_436 : memref<128xf32, #tpu.memory_space<vmem>>) target(%dma_start3A_441 : memref<161792xf32, #tpu.memory_space<vmem_shared>>) offsets(%dma_start3A_439 : memref<128xi32, #tpu.memory_space<vmem>>) semaphore(%arg10 : memref<!tpu.dma_semaphore, #tpu.memory_space<semaphore_mem>>) {add = true}
      %dma_start3A_442 = arith.constant 7 : i32
      %dma_start3A_443 = arith.constant 7 : i32
      %dma_start3A_444 = arith.constant 0 : i32
      %dma_start3A_445 = tpu.memref_slice %arg5[%dma_start3A_442, %dma_start3A_444] : memref<16x128xf32, #tpu.memory_space<vmem>> -> memref<1x128xf32, #tpu.memory_space<vmem>>
      %dma_start3A_446 = tpu.memref_squeeze %dma_start3A_445 : memref<1x128xf32, #tpu.memory_space<vmem>> -> memref<128xf32, #tpu.memory_space<vmem>>
      %dma_start3A_447 = arith.constant 0 : i32
      %dma_start3A_448 = tpu.memref_slice %arg6[%dma_start3A_443, %dma_start3A_447] : memref<16x128xi32, #tpu.memory_space<vmem>> -> memref<1x128xi32, #tpu.memory_space<vmem>>
      %dma_start3A_449 = tpu.memref_squeeze %dma_start3A_448 : memref<1x128xi32, #tpu.memory_space<vmem>> -> memref<128xi32, #tpu.memory_space<vmem>>
      %dma_start3A_450 = arith.constant 0 : i32
      %dma_start3A_451 = tpu.memref_slice %arg9[%dma_start3A_450] : memref<161792xf32, #tpu.memory_space<vmem_shared>> -> memref<161792xf32, #tpu.memory_space<vmem_shared>>
      tpu.enqueue_indirect_dma source(%dma_start3A_446 : memref<128xf32, #tpu.memory_space<vmem>>) target(%dma_start3A_451 : memref<161792xf32, #tpu.memory_space<vmem_shared>>) offsets(%dma_start3A_449 : memref<128xi32, #tpu.memory_space<vmem>>) semaphore(%arg10 : memref<!tpu.dma_semaphore, #tpu.memory_space<semaphore_mem>>) {add = true}
      %dma_start3A_452 = arith.constant 8 : i32
      %dma_start3A_453 = arith.constant 8 : i32
      %dma_start3A_454 = arith.constant 0 : i32
      %dma_start3A_455 = tpu.memref_slice %arg5[%dma_start3A_452, %dma_start3A_454] : memref<16x128xf32, #tpu.memory_space<vmem>> -> memref<1x128xf32, #tpu.memory_space<vmem>>
      %dma_start3A_456 = tpu.memref_squeeze %dma_start3A_455 : memref<1x128xf32, #tpu.memory_space<vmem>> -> memref<128xf32, #tpu.memory_space<vmem>>
      %dma_start3A_457 = arith.constant 0 : i32
      %dma_start3A_458 = tpu.memref_slice %arg6[%dma_start3A_453, %dma_start3A_457] : memref<16x128xi32, #tpu.memory_space<vmem>> -> memref<1x128xi32, #tpu.memory_space<vmem>>
      %dma_start3A_459 = tpu.memref_squeeze %dma_start3A_458 : memref<1x128xi32, #tpu.memory_space<vmem>> -> memref<128xi32, #tpu.memory_space<vmem>>
      %dma_start3A_460 = arith.constant 0 : i32
      %dma_start3A_461 = tpu.memref_slice %arg9[%dma_start3A_460] : memref<161792xf32, #tpu.memory_space<vmem_shared>> -> memref<161792xf32, #tpu.memory_space<vmem_shared>>
      tpu.enqueue_indirect_dma source(%dma_start3A_456 : memref<128xf32, #tpu.memory_space<vmem>>) target(%dma_start3A_461 : memref<161792xf32, #tpu.memory_space<vmem_shared>>) offsets(%dma_start3A_459 : memref<128xi32, #tpu.memory_space<vmem>>) semaphore(%arg10 : memref<!tpu.dma_semaphore, #tpu.memory_space<semaphore_mem>>) {add = true}
      %dma_start3A_462 = arith.constant 9 : i32
      %dma_start3A_463 = arith.constant 9 : i32
      %dma_start3A_464 = arith.constant 0 : i32
      %dma_start3A_465 = tpu.memref_slice %arg5[%dma_start3A_462, %dma_start3A_464] : memref<16x128xf32, #tpu.memory_space<vmem>> -> memref<1x128xf32, #tpu.memory_space<vmem>>
      %dma_start3A_466 = tpu.memref_squeeze %dma_start3A_465 : memref<1x128xf32, #tpu.memory_space<vmem>> -> memref<128xf32, #tpu.memory_space<vmem>>
      %dma_start3A_467 = arith.constant 0 : i32
      %dma_start3A_468 = tpu.memref_slice %arg6[%dma_start3A_463, %dma_start3A_467] : memref<16x128xi32, #tpu.memory_space<vmem>> -> memref<1x128xi32, #tpu.memory_space<vmem>>
      %dma_start3A_469 = tpu.memref_squeeze %dma_start3A_468 : memref<1x128xi32, #tpu.memory_space<vmem>> -> memref<128xi32, #tpu.memory_space<vmem>>
      %dma_start3A_470 = arith.constant 0 : i32
      %dma_start3A_471 = tpu.memref_slice %arg9[%dma_start3A_470] : memref<161792xf32, #tpu.memory_space<vmem_shared>> -> memref<161792xf32, #tpu.memory_space<vmem_shared>>
      tpu.enqueue_indirect_dma source(%dma_start3A_466 : memref<128xf32, #tpu.memory_space<vmem>>) target(%dma_start3A_471 : memref<161792xf32, #tpu.memory_space<vmem_shared>>) offsets(%dma_start3A_469 : memref<128xi32, #tpu.memory_space<vmem>>) semaphore(%arg10 : memref<!tpu.dma_semaphore, #tpu.memory_space<semaphore_mem>>) {add = true}
      %dma_wait3A_472 = arith.constant 0 : i32
      %dma_wait3A_473 = arith.constant 0 : i32
      %dma_wait3A_474 = arith.constant 0 : i32
      %dma_wait3A_475 = tpu.memref_slice %arg5[%dma_wait3A_472, %dma_wait3A_474] : memref<16x128xf32, #tpu.memory_space<vmem>> -> memref<1x128xf32, #tpu.memory_space<vmem>>
      %dma_wait3A_476 = tpu.memref_squeeze %dma_wait3A_475 : memref<1x128xf32, #tpu.memory_space<vmem>> -> memref<128xf32, #tpu.memory_space<vmem>>
      %dma_wait3A_477 = arith.constant 0 : i32
      %dma_wait3A_478 = tpu.memref_slice %arg6[%dma_wait3A_473, %dma_wait3A_477] : memref<16x128xi32, #tpu.memory_space<vmem>> -> memref<1x128xi32, #tpu.memory_space<vmem>>
      %dma_wait3A_479 = tpu.memref_squeeze %dma_wait3A_478 : memref<1x128xi32, #tpu.memory_space<vmem>> -> memref<128xi32, #tpu.memory_space<vmem>>
      %dma_wait3A_480 = arith.constant 0 : i32
      %dma_wait3A_481 = tpu.memref_slice %arg9[%dma_wait3A_480] : memref<161792xf32, #tpu.memory_space<vmem_shared>> -> memref<161792xf32, #tpu.memory_space<vmem_shared>>
      tpu.wait_indirect_dma semaphore(%arg10 : memref<!tpu.dma_semaphore, #tpu.memory_space<semaphore_mem>>) src(%dma_wait3A_476 : memref<128xf32, #tpu.memory_space<vmem>>) dst(%dma_wait3A_481 : memref<161792xf32, #tpu.memory_space<vmem_shared>>)
      %dma_wait3A_482 = arith.constant 1 : i32
      %dma_wait3A_483 = arith.constant 1 : i32
      %dma_wait3A_484 = arith.constant 0 : i32
      %dma_wait3A_485 = tpu.memref_slice %arg5[%dma_wait3A_482, %dma_wait3A_484] : memref<16x128xf32, #tpu.memory_space<vmem>> -> memref<1x128xf32, #tpu.memory_space<vmem>>
      %dma_wait3A_486 = tpu.memref_squeeze %dma_wait3A_485 : memref<1x128xf32, #tpu.memory_space<vmem>> -> memref<128xf32, #tpu.memory_space<vmem>>
      %dma_wait3A_487 = arith.constant 0 : i32
      %dma_wait3A_488 = tpu.memref_slice %arg6[%dma_wait3A_483, %dma_wait3A_487] : memref<16x128xi32, #tpu.memory_space<vmem>> -> memref<1x128xi32, #tpu.memory_space<vmem>>
      %dma_wait3A_489 = tpu.memref_squeeze %dma_wait3A_488 : memref<1x128xi32, #tpu.memory_space<vmem>> -> memref<128xi32, #tpu.memory_space<vmem>>
      %dma_wait3A_490 = arith.constant 0 : i32
      %dma_wait3A_491 = tpu.memref_slice %arg9[%dma_wait3A_490] : memref<161792xf32, #tpu.memory_space<vmem_shared>> -> memref<161792xf32, #tpu.memory_space<vmem_shared>>
      tpu.wait_indirect_dma semaphore(%arg10 : memref<!tpu.dma_semaphore, #tpu.memory_space<semaphore_mem>>) src(%dma_wait3A_486 : memref<128xf32, #tpu.memory_space<vmem>>) dst(%dma_wait3A_491 : memref<161792xf32, #tpu.memory_space<vmem_shared>>)
      %dma_wait3A_492 = arith.constant 2 : i32
      %dma_wait3A_493 = arith.constant 2 : i32
      %dma_wait3A_494 = arith.constant 0 : i32
      %dma_wait3A_495 = tpu.memref_slice %arg5[%dma_wait3A_492, %dma_wait3A_494] : memref<16x128xf32, #tpu.memory_space<vmem>> -> memref<1x128xf32, #tpu.memory_space<vmem>>
      %dma_wait3A_496 = tpu.memref_squeeze %dma_wait3A_495 : memref<1x128xf32, #tpu.memory_space<vmem>> -> memref<128xf32, #tpu.memory_space<vmem>>
      %dma_wait3A_497 = arith.constant 0 : i32
      %dma_wait3A_498 = tpu.memref_slice %arg6[%dma_wait3A_493, %dma_wait3A_497] : memref<16x128xi32, #tpu.memory_space<vmem>> -> memref<1x128xi32, #tpu.memory_space<vmem>>
      %dma_wait3A_499 = tpu.memref_squeeze %dma_wait3A_498 : memref<1x128xi32, #tpu.memory_space<vmem>> -> memref<128xi32, #tpu.memory_space<vmem>>
      %dma_wait3A_500 = arith.constant 0 : i32
      %dma_wait3A_501 = tpu.memref_slice %arg9[%dma_wait3A_500] : memref<161792xf32, #tpu.memory_space<vmem_shared>> -> memref<161792xf32, #tpu.memory_space<vmem_shared>>
      tpu.wait_indirect_dma semaphore(%arg10 : memref<!tpu.dma_semaphore, #tpu.memory_space<semaphore_mem>>) src(%dma_wait3A_496 : memref<128xf32, #tpu.memory_space<vmem>>) dst(%dma_wait3A_501 : memref<161792xf32, #tpu.memory_space<vmem_shared>>)
      %dma_wait3A_502 = arith.constant 3 : i32
      %dma_wait3A_503 = arith.constant 3 : i32
      %dma_wait3A_504 = arith.constant 0 : i32
      %dma_wait3A_505 = tpu.memref_slice %arg5[%dma_wait3A_502, %dma_wait3A_504] : memref<16x128xf32, #tpu.memory_space<vmem>> -> memref<1x128xf32, #tpu.memory_space<vmem>>
      %dma_wait3A_506 = tpu.memref_squeeze %dma_wait3A_505 : memref<1x128xf32, #tpu.memory_space<vmem>> -> memref<128xf32, #tpu.memory_space<vmem>>
      %dma_wait3A_507 = arith.constant 0 : i32
      %dma_wait3A_508 = tpu.memref_slice %arg6[%dma_wait3A_503, %dma_wait3A_507] : memref<16x128xi32, #tpu.memory_space<vmem>> -> memref<1x128xi32, #tpu.memory_space<vmem>>
      %dma_wait3A_509 = tpu.memref_squeeze %dma_wait3A_508 : memref<1x128xi32, #tpu.memory_space<vmem>> -> memref<128xi32, #tpu.memory_space<vmem>>
      %dma_wait3A_510 = arith.constant 0 : i32
      %dma_wait3A_511 = tpu.memref_slice %arg9[%dma_wait3A_510] : memref<161792xf32, #tpu.memory_space<vmem_shared>> -> memref<161792xf32, #tpu.memory_space<vmem_shared>>
      tpu.wait_indirect_dma semaphore(%arg10 : memref<!tpu.dma_semaphore, #tpu.memory_space<semaphore_mem>>) src(%dma_wait3A_506 : memref<128xf32, #tpu.memory_space<vmem>>) dst(%dma_wait3A_511 : memref<161792xf32, #tpu.memory_space<vmem_shared>>)
      %dma_wait3A_512 = arith.constant 4 : i32
      %dma_wait3A_513 = arith.constant 4 : i32
      %dma_wait3A_514 = arith.constant 0 : i32
      %dma_wait3A_515 = tpu.memref_slice %arg5[%dma_wait3A_512, %dma_wait3A_514] : memref<16x128xf32, #tpu.memory_space<vmem>> -> memref<1x128xf32, #tpu.memory_space<vmem>>
      %dma_wait3A_516 = tpu.memref_squeeze %dma_wait3A_515 : memref<1x128xf32, #tpu.memory_space<vmem>> -> memref<128xf32, #tpu.memory_space<vmem>>
      %dma_wait3A_517 = arith.constant 0 : i32
      %dma_wait3A_518 = tpu.memref_slice %arg6[%dma_wait3A_513, %dma_wait3A_517] : memref<16x128xi32, #tpu.memory_space<vmem>> -> memref<1x128xi32, #tpu.memory_space<vmem>>
      %dma_wait3A_519 = tpu.memref_squeeze %dma_wait3A_518 : memref<1x128xi32, #tpu.memory_space<vmem>> -> memref<128xi32, #tpu.memory_space<vmem>>
      %dma_wait3A_520 = arith.constant 0 : i32
      %dma_wait3A_521 = tpu.memref_slice %arg9[%dma_wait3A_520] : memref<161792xf32, #tpu.memory_space<vmem_shared>> -> memref<161792xf32, #tpu.memory_space<vmem_shared>>
      tpu.wait_indirect_dma semaphore(%arg10 : memref<!tpu.dma_semaphore, #tpu.memory_space<semaphore_mem>>) src(%dma_wait3A_516 : memref<128xf32, #tpu.memory_space<vmem>>) dst(%dma_wait3A_521 : memref<161792xf32, #tpu.memory_space<vmem_shared>>)
      %dma_wait3A_522 = arith.constant 5 : i32
      %dma_wait3A_523 = arith.constant 5 : i32
      %dma_wait3A_524 = arith.constant 0 : i32
      %dma_wait3A_525 = tpu.memref_slice %arg5[%dma_wait3A_522, %dma_wait3A_524] : memref<16x128xf32, #tpu.memory_space<vmem>> -> memref<1x128xf32, #tpu.memory_space<vmem>>
      %dma_wait3A_526 = tpu.memref_squeeze %dma_wait3A_525 : memref<1x128xf32, #tpu.memory_space<vmem>> -> memref<128xf32, #tpu.memory_space<vmem>>
      %dma_wait3A_527 = arith.constant 0 : i32
      %dma_wait3A_528 = tpu.memref_slice %arg6[%dma_wait3A_523, %dma_wait3A_527] : memref<16x128xi32, #tpu.memory_space<vmem>> -> memref<1x128xi32, #tpu.memory_space<vmem>>
      %dma_wait3A_529 = tpu.memref_squeeze %dma_wait3A_528 : memref<1x128xi32, #tpu.memory_space<vmem>> -> memref<128xi32, #tpu.memory_space<vmem>>
      %dma_wait3A_530 = arith.constant 0 : i32
      %dma_wait3A_531 = tpu.memref_slice %arg9[%dma_wait3A_530] : memref<161792xf32, #tpu.memory_space<vmem_shared>> -> memref<161792xf32, #tpu.memory_space<vmem_shared>>
      tpu.wait_indirect_dma semaphore(%arg10 : memref<!tpu.dma_semaphore, #tpu.memory_space<semaphore_mem>>) src(%dma_wait3A_526 : memref<128xf32, #tpu.memory_space<vmem>>) dst(%dma_wait3A_531 : memref<161792xf32, #tpu.memory_space<vmem_shared>>)
      %dma_wait3A_532 = arith.constant 6 : i32
      %dma_wait3A_533 = arith.constant 6 : i32
      %dma_wait3A_534 = arith.constant 0 : i32
      %dma_wait3A_535 = tpu.memref_slice %arg5[%dma_wait3A_532, %dma_wait3A_534] : memref<16x128xf32, #tpu.memory_space<vmem>> -> memref<1x128xf32, #tpu.memory_space<vmem>>
      %dma_wait3A_536 = tpu.memref_squeeze %dma_wait3A_535 : memref<1x128xf32, #tpu.memory_space<vmem>> -> memref<128xf32, #tpu.memory_space<vmem>>
      %dma_wait3A_537 = arith.constant 0 : i32
      %dma_wait3A_538 = tpu.memref_slice %arg6[%dma_wait3A_533, %dma_wait3A_537] : memref<16x128xi32, #tpu.memory_space<vmem>> -> memref<1x128xi32, #tpu.memory_space<vmem>>
      %dma_wait3A_539 = tpu.memref_squeeze %dma_wait3A_538 : memref<1x128xi32, #tpu.memory_space<vmem>> -> memref<128xi32, #tpu.memory_space<vmem>>
      %dma_wait3A_540 = arith.constant 0 : i32
      %dma_wait3A_541 = tpu.memref_slice %arg9[%dma_wait3A_540] : memref<161792xf32, #tpu.memory_space<vmem_shared>> -> memref<161792xf32, #tpu.memory_space<vmem_shared>>
      tpu.wait_indirect_dma semaphore(%arg10 : memref<!tpu.dma_semaphore, #tpu.memory_space<semaphore_mem>>) src(%dma_wait3A_536 : memref<128xf32, #tpu.memory_space<vmem>>) dst(%dma_wait3A_541 : memref<161792xf32, #tpu.memory_space<vmem_shared>>)
      %dma_wait3A_542 = arith.constant 7 : i32
      %dma_wait3A_543 = arith.constant 7 : i32
      %dma_wait3A_544 = arith.constant 0 : i32
      %dma_wait3A_545 = tpu.memref_slice %arg5[%dma_wait3A_542, %dma_wait3A_544] : memref<16x128xf32, #tpu.memory_space<vmem>> -> memref<1x128xf32, #tpu.memory_space<vmem>>
      %dma_wait3A_546 = tpu.memref_squeeze %dma_wait3A_545 : memref<1x128xf32, #tpu.memory_space<vmem>> -> memref<128xf32, #tpu.memory_space<vmem>>
      %dma_wait3A_547 = arith.constant 0 : i32
      %dma_wait3A_548 = tpu.memref_slice %arg6[%dma_wait3A_543, %dma_wait3A_547] : memref<16x128xi32, #tpu.memory_space<vmem>> -> memref<1x128xi32, #tpu.memory_space<vmem>>
      %dma_wait3A_549 = tpu.memref_squeeze %dma_wait3A_548 : memref<1x128xi32, #tpu.memory_space<vmem>> -> memref<128xi32, #tpu.memory_space<vmem>>
      %dma_wait3A_550 = arith.constant 0 : i32
      %dma_wait3A_551 = tpu.memref_slice %arg9[%dma_wait3A_550] : memref<161792xf32, #tpu.memory_space<vmem_shared>> -> memref<161792xf32, #tpu.memory_space<vmem_shared>>
      tpu.wait_indirect_dma semaphore(%arg10 : memref<!tpu.dma_semaphore, #tpu.memory_space<semaphore_mem>>) src(%dma_wait3A_546 : memref<128xf32, #tpu.memory_space<vmem>>) dst(%dma_wait3A_551 : memref<161792xf32, #tpu.memory_space<vmem_shared>>)
      %dma_wait3A_552 = arith.constant 8 : i32
      %dma_wait3A_553 = arith.constant 8 : i32
      %dma_wait3A_554 = arith.constant 0 : i32
      %dma_wait3A_555 = tpu.memref_slice %arg5[%dma_wait3A_552, %dma_wait3A_554] : memref<16x128xf32, #tpu.memory_space<vmem>> -> memref<1x128xf32, #tpu.memory_space<vmem>>
      %dma_wait3A_556 = tpu.memref_squeeze %dma_wait3A_555 : memref<1x128xf32, #tpu.memory_space<vmem>> -> memref<128xf32, #tpu.memory_space<vmem>>
      %dma_wait3A_557 = arith.constant 0 : i32
      %dma_wait3A_558 = tpu.memref_slice %arg6[%dma_wait3A_553, %dma_wait3A_557] : memref<16x128xi32, #tpu.memory_space<vmem>> -> memref<1x128xi32, #tpu.memory_space<vmem>>
      %dma_wait3A_559 = tpu.memref_squeeze %dma_wait3A_558 : memref<1x128xi32, #tpu.memory_space<vmem>> -> memref<128xi32, #tpu.memory_space<vmem>>
      %dma_wait3A_560 = arith.constant 0 : i32
      %dma_wait3A_561 = tpu.memref_slice %arg9[%dma_wait3A_560] : memref<161792xf32, #tpu.memory_space<vmem_shared>> -> memref<161792xf32, #tpu.memory_space<vmem_shared>>
      tpu.wait_indirect_dma semaphore(%arg10 : memref<!tpu.dma_semaphore, #tpu.memory_space<semaphore_mem>>) src(%dma_wait3A_556 : memref<128xf32, #tpu.memory_space<vmem>>) dst(%dma_wait3A_561 : memref<161792xf32, #tpu.memory_space<vmem_shared>>)
      %dma_wait3A_562 = arith.constant 9 : i32
      %dma_wait3A_563 = arith.constant 9 : i32
      %dma_wait3A_564 = arith.constant 0 : i32
      %dma_wait3A_565 = tpu.memref_slice %arg5[%dma_wait3A_562, %dma_wait3A_564] : memref<16x128xf32, #tpu.memory_space<vmem>> -> memref<1x128xf32, #tpu.memory_space<vmem>>
      %dma_wait3A_566 = tpu.memref_squeeze %dma_wait3A_565 : memref<1x128xf32, #tpu.memory_space<vmem>> -> memref<128xf32, #tpu.memory_space<vmem>>
      %dma_wait3A_567 = arith.constant 0 : i32
      %dma_wait3A_568 = tpu.memref_slice %arg6[%dma_wait3A_563, %dma_wait3A_567] : memref<16x128xi32, #tpu.memory_space<vmem>> -> memref<1x128xi32, #tpu.memory_space<vmem>>
      %dma_wait3A_569 = tpu.memref_squeeze %dma_wait3A_568 : memref<1x128xi32, #tpu.memory_space<vmem>> -> memref<128xi32, #tpu.memory_space<vmem>>
      %dma_wait3A_570 = arith.constant 0 : i32
      %dma_wait3A_571 = tpu.memref_slice %arg9[%dma_wait3A_570] : memref<161792xf32, #tpu.memory_space<vmem_shared>> -> memref<161792xf32, #tpu.memory_space<vmem_shared>>
      tpu.wait_indirect_dma semaphore(%arg10 : memref<!tpu.dma_semaphore, #tpu.memory_space<semaphore_mem>>) src(%dma_wait3A_566 : memref<128xf32, #tpu.memory_space<vmem>>) dst(%dma_wait3A_571 : memref<161792xf32, #tpu.memory_space<vmem_shared>>)
    }
    %scan3A_343 = arith.constant 125 : i32
    %barrier3A_344 = arith.constant 0 : index
    tpu.barrier barrier_id(%barrier3A_344)
    %mul3A_345 = arith.constant 10112 : i32
    %mul3A_346 = arith.muli %arg0, %mul3A_345 : i32
    %mul3A_347 = arith.constant 16 : i32
    %mul3A_348 = arith.muli %mul3A_346, %mul3A_347 : i32
    %add3A_349 = arith.addi %mul3A_348, %mul3A_2 : i32
    "tpu.region"() ({
      %run_scoped3A = tpu.sem_alloc : memref<!tpu.dma_semaphore, #tpu.memory_space<semaphore_mem>>
      %dma_start3A = tpu.memref_slice %arg4[%add3A_349] : memref<323584xf32, #tpu.memory_space<hbm>> -> memref<10112xf32, #tpu.memory_space<hbm>>
      %dma_start3A_350 = tpu.memref_slice %arg9[%mul3A_2] : memref<161792xf32, #tpu.memory_space<vmem_shared>> -> memref<10112xf32, #tpu.memory_space<vmem_shared>>
      tpu.enqueue_dma source(%dma_start3A_350 : memref<10112xf32, #tpu.memory_space<vmem_shared>>) target(%dma_start3A : memref<10112xf32, #tpu.memory_space<hbm>>) target_semaphore(%run_scoped3A : memref<!tpu.dma_semaphore, #tpu.memory_space<semaphore_mem>>)
      %dma_wait3A = tpu.memref_slice %arg4[%add3A_349] : memref<323584xf32, #tpu.memory_space<hbm>> -> memref<10112xf32, #tpu.memory_space<hbm>>
      %dma_wait3A_351 = tpu.memref_slice %arg9[%mul3A_2] : memref<161792xf32, #tpu.memory_space<vmem_shared>> -> memref<10112xf32, #tpu.memory_space<vmem_shared>>
      tpu.wait_dma2 semaphore(%run_scoped3A : memref<!tpu.dma_semaphore, #tpu.memory_space<semaphore_mem>>) src(%dma_wait3A_351 : memref<10112xf32, #tpu.memory_space<vmem_shared>>) dst(%dma_wait3A : memref<10112xf32, #tpu.memory_space<hbm>>)
      tpu.yield
    }) : () -> ()
    return
  }
}

module attributes {stable_mosaic.version = 14 : i64} {
  func.func @body(%arg0: i32, %arg1: memref<1000x128xf32, #tpu.memory_space<vmem>>, %arg2: memref<1000x128xf32, #tpu.memory_space<vmem>>, %arg3: memref<1000x128xf32, #tpu.memory_space<vmem>>, %arg4: memref<1000x16xf32, #tpu.memory_space<vmem>>, %arg5: memref<1000x16xf32, #tpu.memory_space<vmem>>, %arg6: memref<1x1x1000xi32, #tpu.memory_space<vmem>>, %arg7: memref<16x128xf32, #tpu.memory_space<vmem>>, %arg8: memref<128x128xf32, #tpu.memory_space<vmem>>, %arg9: memref<1x128xf32, #tpu.memory_space<vmem>>, %arg10: memref<128x10xf32, #tpu.memory_space<vmem>>, %arg11: memref<1x10xf32, #tpu.memory_space<vmem>>, %arg12: memref<64x10xf32, #tpu.memory_space<vmem>>, %arg13: memref<64x128xf32, #tpu.memory_space<vmem>>, %arg14: memref<64x1xf32, #tpu.memory_space<vmem>>) attributes {dimension_semantics = [#tpu.dimension_semantics<arbitrary>], iteration_bounds = array<i64: 10>, scalar_prefetch = 0 : i64, scratch_operands = 2 : i64, tpu.core_type = #tpu.core_type<tc>, window_params = [{transform_indices = @transform_0, window_bounds = array<i64: 1000, 128>}, {transform_indices = @transform_1, window_bounds = array<i64: 1000, 128>}, {transform_indices = @transform_2, window_bounds = array<i64: 1000, 128>}, {transform_indices = @transform_3, window_bounds = array<i64: 1000, 16>}, {transform_indices = @transform_4, window_bounds = array<i64: 1000, 16>}, {transform_indices = @transform_5, window_bounds = array<i64: 1, 1, 1000>}, {pipeline_mode = #tpu.pipeline_mode<synchronous>, transform_indices = @transform_6, window_bounds = array<i64: 16, 128>}, {pipeline_mode = #tpu.pipeline_mode<synchronous>, transform_indices = @transform_7, window_bounds = array<i64: 128, 128>}, {pipeline_mode = #tpu.pipeline_mode<synchronous>, transform_indices = @transform_8, window_bounds = array<i64: 1, 128>}, {pipeline_mode = #tpu.pipeline_mode<synchronous>, transform_indices = @transform_9, window_bounds = array<i64: 128, 10>}, {pipeline_mode = #tpu.pipeline_mode<synchronous>, transform_indices = @transform_10, window_bounds = array<i64: 1, 10>}, {pipeline_mode = #tpu.pipeline_mode<synchronous>, transform_indices = @transform_11, window_bounds = array<i64: 64, 10>}]} {
    %eq3A = arith.constant 0 : i32
    %eq3A_0 = arith.cmpi eq, %arg0, %eq3A : i32
    %convert_element_type3A = arith.extui %eq3A_0 : i1 to i32
    %cond3A = arith.constant 0 : i32
    %cond3A_1 = arith.cmpi ne, %convert_element_type3A, %cond3A : i32
    scf.if %cond3A_1 {
      %broadcast_in_dim3A_65 = arith.constant 0.000000e+00 : f32
      %broadcast_in_dim3A_66 = vector.broadcast %broadcast_in_dim3A_65 : f32 to vector<64x128xf32>
      %swap3A_67 = arith.constant 0 : index
      %swap3A_68 = arith.constant 0 : index
      %swap3A_69 = vector.load %arg13[%swap3A_67, %swap3A_68] : memref<64x128xf32, #tpu.memory_space<vmem>>, vector<64x128xf32>
      tpu.vector_store %arg13[%swap3A_67, %swap3A_68], %broadcast_in_dim3A_66 {strides = array<i32>} : memref<64x128xf32, #tpu.memory_space<vmem>>, vector<64x128xf32>,
      %broadcast_in_dim3A_70 = arith.constant 0.000000e+00 : f32
      %broadcast_in_dim3A_71 = vector.broadcast %broadcast_in_dim3A_70 : f32 to vector<64x1xf32>
      %swap3A_72 = arith.constant 0 : index
      %swap3A_73 = arith.constant 0 : index
      %swap3A_74 = vector.load %arg14[%swap3A_72, %swap3A_73] : memref<64x1xf32, #tpu.memory_space<vmem>>, vector<64x1xf32>
      tpu.vector_store %arg14[%swap3A_72, %swap3A_73], %broadcast_in_dim3A_71 {strides = array<i32>} : memref<64x1xf32, #tpu.memory_space<vmem>>, vector<64x1xf32>,
    } else {
    }
    %get3A = arith.constant 0 : index
    %get3A_2 = arith.constant 0 : index
    %get3A_3 = vector.load %arg4[%get3A, %get3A_2] : memref<1000x16xf32, #tpu.memory_space<vmem>>, vector<1000x16xf32>
    %get3A_4 = arith.constant 0 : index
    %get3A_5 = arith.constant 0 : index
    %get3A_6 = vector.load %arg5[%get3A_4, %get3A_5] : memref<1000x16xf32, #tpu.memory_space<vmem>>, vector<1000x16xf32>
    %add3A = arith.addf %get3A_3, %get3A_6 : vector<1000x16xf32>
    %get3A_7 = arith.constant 0 : index
    %get3A_8 = arith.constant 0 : index
    %get3A_9 = vector.load %arg1[%get3A_7, %get3A_8] : memref<1000x128xf32, #tpu.memory_space<vmem>>, vector<1000x128xf32>
    %get3A_10 = arith.constant 0 : index
    %get3A_11 = arith.constant 0 : index
    %get3A_12 = vector.load %arg2[%get3A_10, %get3A_11] : memref<1000x128xf32, #tpu.memory_space<vmem>>, vector<1000x128xf32>
    %add3A_13 = arith.addf %get3A_9, %get3A_12 : vector<1000x128xf32>
    %get3A_14 = arith.constant 0 : index
    %get3A_15 = arith.constant 0 : index
    %get3A_16 = vector.load %arg3[%get3A_14, %get3A_15] : memref<1000x128xf32, #tpu.memory_space<vmem>>, vector<1000x128xf32>
    %add3A_17 = arith.addf %add3A_13, %get3A_16 : vector<1000x128xf32>
    %get3A_18 = arith.constant 0 : index
    %get3A_19 = arith.constant 0 : index
    %get3A_20 = vector.load %arg7[%get3A_18, %get3A_19] : memref<16x128xf32, #tpu.memory_space<vmem>>, vector<16x128xf32>
    %dot_general3A = arith.constant dense<0.000000e+00> : vector<1000x128xf32>
    %dot_general3A_21 = tpu.matmul %add3A, %get3A_20, %dot_general3A {dimension_numbers = #tpu.dot_dimension_numbers<[1], [0], [0], [1], [0, 0, 1, 1], [], []>, transpose_lhs_hint = false} : vector<1000x16xf32>, vector<16x128xf32>, vector<1000x128xf32> -> vector<1000x128xf32>
    %add3A_22 = arith.addf %add3A_17, %dot_general3A_21 : vector<1000x128xf32>
    %get3A_23 = arith.constant 0 : index
    %get3A_24 = arith.constant 0 : index
    %get3A_25 = vector.load %arg8[%get3A_23, %get3A_24] : memref<128x128xf32, #tpu.memory_space<vmem>>, vector<128x128xf32>
    %dot_general3A_26 = arith.constant dense<0.000000e+00> : vector<1000x128xf32>
    %dot_general3A_27 = tpu.matmul %add3A_22, %get3A_25, %dot_general3A_26 {dimension_numbers = #tpu.dot_dimension_numbers<[1], [0], [0], [1], [0, 0, 1, 1], [], []>, transpose_lhs_hint = false} : vector<1000x128xf32>, vector<128x128xf32>, vector<1000x128xf32> -> vector<1000x128xf32>
    %get3A_28 = arith.constant 0 : index
    %get3A_29 = arith.constant 0 : index
    %get3A_30 = vector.load %arg9[%get3A_28, %get3A_29] : memref<1x128xf32, #tpu.memory_space<vmem>>, vector<1x128xf32>
    %add3A_31 = vector.broadcast %get3A_30 : vector<1x128xf32> to vector<1000x128xf32>
    %add3A_32 = arith.addf %dot_general3A_27, %add3A_31 : vector<1000x128xf32>
    %max3A = arith.constant 0.000000e+00 : f32
    %max3A_33 = vector.broadcast %max3A : f32 to vector<1000x128xf32>
    %max3A_34 = arith.maximumf %add3A_32, %max3A_33 : vector<1000x128xf32>
    %get3A_35 = arith.constant 0 : index
    %get3A_36 = arith.constant 0 : index
    %get3A_37 = arith.constant 0 : index
    %get3A_38 = vector.load %arg6[%get3A_35, %get3A_36, %get3A_37] : memref<1x1x1000xi32, #tpu.memory_space<vmem>>, vector<1x1x1000xi32>
    %get3A_39 = vector.shape_cast %get3A_38 : vector<1x1x1000xi32> to vector<1x1000xi32>
    %iota3A = tpu.iota {dimensions = array<i32: 0>} : vector<64x1000xi32>
    %eq3A_40 = vector.broadcast %get3A_39 : vector<1x1000xi32> to vector<64x1000xi32>
    %eq3A_41 = arith.cmpi eq, %iota3A, %eq3A_40 : vector<64x1000xi32>
    %convert_element_type3A_42 = arith.extui %eq3A_41 : vector<64x1000xi1> to vector<64x1000xi32>
    %convert_element_type3A_43 = arith.sitofp %convert_element_type3A_42 : vector<64x1000xi32> to vector<64x1000xf32>
    %get3A_44 = arith.constant 0 : index
    %get3A_45 = arith.constant 0 : index
    %get3A_46 = vector.load %arg13[%get3A_44, %get3A_45] : memref<64x128xf32, #tpu.memory_space<vmem>>, vector<64x128xf32>
    %dot_general3A_47 = arith.constant dense<0.000000e+00> : vector<64x128xf32>
    %dot_general3A_48 = tpu.matmul %convert_element_type3A_43, %max3A_34, %dot_general3A_47 {dimension_numbers = #tpu.dot_dimension_numbers<[1], [0], [0], [1], [0, 0, 1, 1], [], []>, transpose_lhs_hint = false} : vector<64x1000xf32>, vector<1000x128xf32>, vector<64x128xf32> -> vector<64x128xf32>
    %add3A_49 = arith.addf %get3A_46, %dot_general3A_48 : vector<64x128xf32>
    %swap3A = arith.constant 0 : index
    %swap3A_50 = arith.constant 0 : index
    %swap3A_51 = vector.load %arg13[%swap3A, %swap3A_50] : memref<64x128xf32, #tpu.memory_space<vmem>>, vector<64x128xf32>
    tpu.vector_store %arg13[%swap3A, %swap3A_50], %add3A_49 {strides = array<i32>} : memref<64x128xf32, #tpu.memory_space<vmem>>, vector<64x128xf32>,
    %get3A_52 = arith.constant 0 : index
    %get3A_53 = arith.constant 0 : index
    %get3A_54 = vector.load %arg14[%get3A_52, %get3A_53] : memref<64x1xf32, #tpu.memory_space<vmem>>, vector<64x1xf32>
    %reduce_sum3A = arith.constant dense<0.000000e+00> : vector<64xf32>
    %reduce_sum3A_55 = vector.multi_reduction <add>, %convert_element_type3A_43, %reduce_sum3A [1] : vector<64x1000xf32> to vector<64xf32>
    %broadcast_in_dim3A = vector.shape_cast %reduce_sum3A_55 : vector<64xf32> to vector<64x1xf32>
    %add3A_56 = arith.addf %get3A_54, %broadcast_in_dim3A : vector<64x1xf32>
    %swap3A_57 = arith.constant 0 : index
    %swap3A_58 = arith.constant 0 : index
    %swap3A_59 = vector.load %arg14[%swap3A_57, %swap3A_58] : memref<64x1xf32, #tpu.memory_space<vmem>>, vector<64x1xf32>
    tpu.vector_store %arg14[%swap3A_57, %swap3A_58], %add3A_56 {strides = array<i32>} : memref<64x1xf32, #tpu.memory_space<vmem>>, vector<64x1xf32>,
    %eq3A_60 = arith.constant 9 : i32
    %eq3A_61 = arith.cmpi eq, %arg0, %eq3A_60 : i32
    %convert_element_type3A_62 = arith.extui %eq3A_61 : i1 to i32
    %cond3A_63 = arith.constant 0 : i32
    %cond3A_64 = arith.cmpi ne, %convert_element_type3A_62, %cond3A_63 : i32
    scf.if %cond3A_64 {
      %get3A_65 = arith.constant 0 : index
      %get3A_66 = arith.constant 0 : index
      %get3A_67 = vector.load %arg13[%get3A_65, %get3A_66] : memref<64x128xf32, #tpu.memory_space<vmem>>, vector<64x128xf32>
      %get3A_68 = arith.constant 0 : index
      %get3A_69 = arith.constant 0 : index
      %get3A_70 = vector.load %arg14[%get3A_68, %get3A_69] : memref<64x1xf32, #tpu.memory_space<vmem>>, vector<64x1xf32>
      %max3A_71 = arith.constant 1.000000e+00 : f32
      %max3A_72 = vector.broadcast %max3A_71 : f32 to vector<64x1xf32>
      %max3A_73 = arith.maximumf %get3A_70, %max3A_72 : vector<64x1xf32>
      %div3A = vector.broadcast %max3A_73 : vector<64x1xf32> to vector<64x128xf32>
      %div3A_74 = arith.divf %get3A_67, %div3A : vector<64x128xf32>
      %get3A_75 = arith.constant 0 : index
      %get3A_76 = arith.constant 0 : index
      %get3A_77 = vector.load %arg10[%get3A_75, %get3A_76] : memref<128x10xf32, #tpu.memory_space<vmem>>, vector<128x10xf32>
      %dot_general3A_78 = arith.constant dense<0.000000e+00> : vector<64x10xf32>
      %dot_general3A_79 = tpu.matmul %div3A_74, %get3A_77, %dot_general3A_78 {dimension_numbers = #tpu.dot_dimension_numbers<[1], [0], [0], [1], [0, 0, 1, 1], [], []>, transpose_lhs_hint = false} : vector<64x128xf32>, vector<128x10xf32>, vector<64x10xf32> -> vector<64x10xf32>
      %get3A_80 = arith.constant 0 : index
      %get3A_81 = arith.constant 0 : index
      %get3A_82 = vector.load %arg11[%get3A_80, %get3A_81] : memref<1x10xf32, #tpu.memory_space<vmem>>, vector<1x10xf32>
      %add3A_83 = vector.broadcast %get3A_82 : vector<1x10xf32> to vector<64x10xf32>
      %add3A_84 = arith.addf %dot_general3A_79, %add3A_83 : vector<64x10xf32>
      %swap3A_85 = arith.constant 0 : index
      %swap3A_86 = arith.constant 0 : index
      %swap3A_87 = vector.load %arg12[%swap3A_85, %swap3A_86] : memref<64x10xf32, #tpu.memory_space<vmem>>, vector<64x10xf32>
      tpu.vector_store %arg12[%swap3A_85, %swap3A_86], %add3A_84 {strides = array<i32>} : memref<64x10xf32, #tpu.memory_space<vmem>>, vector<64x10xf32>,
    } else {
    }
    return
  }
  func.func @transform_0(%arg0: i32) -> (i32, i32) {
    %c0_i32 = arith.constant 0 : i32
    %c0_i32_0 = arith.constant 0 : i32
    return %arg0, %c0_i32 : i32, i32
  }
  func.func @transform_1(%arg0: i32) -> (i32, i32) {
    %c0_i32 = arith.constant 0 : i32
    %c0_i32_0 = arith.constant 0 : i32
    return %arg0, %c0_i32 : i32, i32
  }
  func.func @transform_2(%arg0: i32) -> (i32, i32) {
    %c0_i32 = arith.constant 0 : i32
    %c0_i32_0 = arith.constant 0 : i32
    return %arg0, %c0_i32 : i32, i32
  }
  func.func @transform_3(%arg0: i32) -> (i32, i32) {
    %c0_i32 = arith.constant 0 : i32
    %c0_i32_0 = arith.constant 0 : i32
    return %arg0, %c0_i32 : i32, i32
  }
  func.func @transform_4(%arg0: i32) -> (i32, i32) {
    %c0_i32 = arith.constant 0 : i32
    %c0_i32_0 = arith.constant 0 : i32
    return %arg0, %c0_i32 : i32, i32
  }
  func.func @transform_5(%arg0: i32) -> (i32, i32, i32) {
    %c0_i32 = arith.constant 0 : i32
    %c0_i32_0 = arith.constant 0 : i32
    %c0_i32_1 = arith.constant 0 : i32
    return %arg0, %c0_i32, %c0_i32_0 : i32, i32, i32
  }
  func.func @transform_6(%arg0: i32) -> (i32, i32) {
    %c0_i32 = arith.constant 0 : i32
    %c0_i32_0 = arith.constant 0 : i32
    %c0_i32_1 = arith.constant 0 : i32
    return %c0_i32, %c0_i32_0 : i32, i32
  }
  func.func @transform_7(%arg0: i32) -> (i32, i32) {
    %c0_i32 = arith.constant 0 : i32
    %c0_i32_0 = arith.constant 0 : i32
    %c0_i32_1 = arith.constant 0 : i32
    return %c0_i32, %c0_i32_0 : i32, i32
  }
  func.func @transform_8(%arg0: i32) -> (i32, i32) {
    %c0_i32 = arith.constant 0 : i32
    %c0_i32_0 = arith.constant 0 : i32
    %c0_i32_1 = arith.constant 0 : i32
    return %c0_i32, %c0_i32_0 : i32, i32
  }
  func.func @transform_9(%arg0: i32) -> (i32, i32) {
    %c0_i32 = arith.constant 0 : i32
    %c0_i32_0 = arith.constant 0 : i32
    %c0_i32_1 = arith.constant 0 : i32
    return %c0_i32, %c0_i32_0 : i32, i32
  }
  func.func @transform_10(%arg0: i32) -> (i32, i32) {
    %c0_i32 = arith.constant 0 : i32
    %c0_i32_0 = arith.constant 0 : i32
    %c0_i32_1 = arith.constant 0 : i32
    return %c0_i32, %c0_i32_0 : i32, i32
  }
  func.func @transform_11(%arg0: i32) -> (i32, i32) {
    %c0_i32 = arith.constant 0 : i32
    %c0_i32_0 = arith.constant 0 : i32
    %c0_i32_1 = arith.constant 0 : i32
    return %c0_i32, %c0_i32_0 : i32, i32
  }
}

</mosaic_0001>

<sc_bundles>
// kernel: kernel.5.cloned.1.call-start
scs
__scs_entry_jumppad:
0x0: {  	(pc) =	sbr.rel $0x88, $3  }
0x1: {  	(tag) =	ssettag $0x0;
	lr =	simm.s32 $0x1  }
0x2: {  	[smem:$0x3F98] =	sst lr;
	_ =	strace $0xD0000000  }
0x3: {  	_ = 	snop  }
0x4: {  	_ = 	snop  }
0x5: {  	_ = 	snop  }
0x6: {  	_ = 	snop  }
0x7: {  	_ = 	snop  }
__scs_overlays_trampoline_lowered:
0x8: {  	[smem:$0x3FA7] =	sst s0  }
0x9: {  	[smem:$0x3FA8] =	sst s1  }
0xa: {  	[smem:$0x3FA9] =	sst s2  }
0xb: {  	[smem:$0x3FAA] =	sst s3  }
0xc: {  	[smem:$0x3FAB] =	sst s4  }
0xd: {  	[smem:$0x3FAC] =	sst s5  }
0xe: {  	[smem:$0x3FAD] =	sst s6  }
0xf: {  	[smem:$0x3FAE] =	sst s7  }
0x10: {  	[smem:$0x3FAF] =	sst s8  }
0x11: {  	[smem:$0x3FB0] =	sst s9;
	s0 =	simm.s32 @!p0 $0x0  }
0x12: {  	s1 =	sld [smem:$0x3F96];
	s0 =	simm.s32 @p0 $0x1  }
0x13: {  	[smem:$0x3FB1] =	sst s0;
	s0 =	simm.s32 @!p1 $0x0  }
0x14: {  	s2 =	sld [smem:$0x3F95];
	s0 =	simm.s32 @p1 $0x1  }
0x15: {  	[smem:$0x3FB2] =	sst s0;
	s0 =	simm.s32 @!p2 $0x0  }
0x16: {  	s3 =	sld [smem:$0x3FDB];
	s0 =	simm.s32 @p2 $0x1  }
0x17: {  	s4 =	simm.s32 $0x1BF5;
	[smem:$0x3FB4] =	sst s0  }
0x18: {  	s0 =	sld [smem:$0x3F97];
	_ =	swait.ge [sflag:s4], $0x0  }
0x19: {  	s7 =	sld [smem:$0x3F98]  }
0x1a: {  	s8 =	sadd.s32 $0xFFFFE003, lr  }
0x1b: {  	s9 =	sadd.s32 $0xFFFFFEF7, lr;
	s5 =	simm.s32 $0xFFFFFFFF;
	p2 =	slt.u32 s8, $0xFFFFF086  }
0x1c: {  	p1 =	slt.u32 s9, $0xF7A;
	s5 =	simm.s32 @!p2 $0x0  }
0x1d: {  	s5 =	simm.s32 @p1 $0x1;
	p0 =	seq.s32 s7, s2  }
0x1e: {  	s7 =	smul.u32 @!p0 $0xF7A, s2;
	p2 =	seq.s32 @!p0 s5, $0x0  }
0x1f: {  	s9 =	smul.u32 $0xF7A, s1;
	s8 =	simm.s32 @!p0 $0x1BF5;
	p2 =	por !p2, p0  }
0x20: {  	[sflag:s8] =	ssyncset.s32 @!p0 $0xFFFFF086;
	s6 =	sadd.s32 @!p0 s3, s7;
	s7 =	simm.s32 @!p0 $0x108  }
0x21: {  	s3 =	sadd.s32 s3, s9;
	s6 =	sadd.s32 @!p0 $0x88, s6;
	s7 =	simm.s32 @p2 $0x1082  }
0x22: {  	[simem:s7], [sflag:s8] =	dma.local @!p0 [hbm:s6], $0xF7A  }
0x23: {  	s9 =	sor.u32 $0xD0000000, s2;
	s6 =	simm.s32 $0x108;
	_ =	swait.ge @!p0 [sflag:s8], $0x0  }
0x24: {  	s3 =	sadd.s32 $0x88, s3;
	s6 =	simm.s32 @!p1 $0x1082;
	[sflag:s4] =	ssyncset.s32 $0xFFFFF086  }
0x25: {  	[simem:s6], [sflag:s4] =	dma.local [hbm:s3], $0xF7A  }
0x26: {  	[smem:$0x3F98] =	sst s1;
	(tag) =	ssettag s2;
	_ =	strace s9  }
0x27: {  	s1 =	sld [smem:$0x3FA8]  }
0x28: {  	s2 =	sld [smem:$0x3FA9]  }
0x29: {  	s4 =	sld [smem:$0x3FAB]  }
0x2a: {  	p0 =	seq.s32 s5, $0x0;
	s5 =	sld [smem:$0x3FAC]  }
0x2b: {  	s6 =	sld [smem:$0x3FAD]  }
0x2c: {  	s7 =	sld [smem:$0x3FAE]  }
0x2d: {  	s3 =	simm.s32 $0x108;
	s8 =	sld [smem:$0x3FAF]  }
0x2e: {  	s3 =	simm.s32 @!p0 $0x1082;
	s9 =	sld [smem:$0x3FB0]  }
0x2f: {  	lr =	sadd.s32 s0, s3;
	s0 =	sld [smem:$0x3FA7]  }
0x30: {  	s3 =	sld [smem:$0x3FAA]  }
0x31: {  	[smem:$0x3FB3] =	sst s10  }
0x32: {  	s10 =	sld [smem:$0x3FB1];
	_ =	sdelay $0x3  }
0x33: {  	p0 =	seq.s32 s10, $0x1;
	s10 =	sld [smem:$0x3FB3];
	_ =	sdelay $0x3  }
0x34: {  	[smem:$0x3FB3] =	sst s10  }
0x35: {  	s10 =	sld [smem:$0x3FB2];
	_ =	sdelay $0x3  }
0x36: {  	p1 =	seq.s32 s10, $0x1;
	s10 =	sld [smem:$0x3FB3];
	_ =	sdelay $0x3  }
0x37: {  	[smem:$0x3FB3] =	sst s10  }
0x38: {  	s10 =	sld [smem:$0x3FB4]  }
0x39: {  	_ = 	snop;
	(pc) =	sbr.ind lr, $3  }
0x3a: {  	_ = 	snop  }
0x3b: {  	_ = 	snop  }
0x3c: {  	p2 =	seq.s32 s10, $0x1;
	s10 =	sld [smem:$0x3FB3]  }
0x3d: {  	_ =	shalt  }
0x3e: {  	_ =	shalt  }
0x3f: {  	_ =	shalt  }
0x40: {  	_ =	shalt  }
0x41: {  	_ =	shalt  }
0x42: {  	_ =	shalt  }
0x43: {  	_ =	shalt  }
0x44: {  	_ =	shalt  }
0x45: {  	_ =	shalt  }
0x46: {  	_ =	shalt  }
0x47: {  	_ =	shalt  }
0x48: {  	_ =	shalt  }
0x49: {  	_ =	shalt  }
0x4a: {  	_ =	shalt  }
0x4b: {  	_ =	shalt  }
0x4c: {  	_ =	shalt  }
0x4d: {  	_ =	shalt  }
0x4e: {  	_ =	shalt  }
0x4f: {  	_ =	shalt  }
0x50: {  	_ =	shalt  }
0x51: {  	_ =	shalt  }
0x52: {  	_ =	shalt  }
0x53: {  	_ =	shalt  }
0x54: {  	_ =	shalt  }
0x55: {  	_ =	shalt  }
0x56: {  	_ =	shalt  }
0x57: {  	_ =	shalt  }
0x58: {  	_ =	shalt  }
0x59: {  	_ =	shalt  }
0x5a: {  	_ =	shalt  }
0x5b: {  	_ =	shalt  }
0x5c: {  	_ =	shalt  }
0x5d: {  	_ =	shalt  }
0x5e: {  	_ =	shalt  }
0x5f: {  	_ =	shalt  }
0x60: {  	_ =	shalt  }
0x61: {  	_ =	shalt  }
0x62: {  	_ =	shalt  }
0x63: {  	_ =	shalt  }
0x64: {  	_ =	shalt  }
0x65: {  	_ =	shalt  }
0x66: {  	_ =	shalt  }
0x67: {  	_ =	shalt  }
0x68: {  	_ =	shalt  }
0x69: {  	_ =	shalt  }
0x6a: {  	_ =	shalt  }
0x6b: {  	_ =	shalt  }
0x6c: {  	_ =	shalt  }
0x6d: {  	_ =	shalt  }
0x6e: {  	_ =	shalt  }
0x6f: {  	_ =	shalt  }
0x70: {  	_ =	shalt  }
0x71: {  	_ =	shalt  }
0x72: {  	_ =	shalt  }
0x73: {  	_ =	shalt  }
0x74: {  	_ =	shalt  }
0x75: {  	_ =	shalt  }
0x76: {  	_ =	shalt  }
0x77: {  	_ =	shalt  }
0x78: {  	_ =	shalt  }
0x79: {  	_ =	shalt  }
0x7a: {  	_ =	shalt  }
0x7b: {  	_ =	shalt  }
0x7c: {  	_ =	shalt  }
0x7d: {  	_ =	shalt  }
0x7e: {  	_ =	shalt  }
0x7f: {  	_ =	shalt  }
0x80: {  	_ =	shalt  }
0x81: {  	_ =	shalt  }
0x82: {  	_ =	shalt  }
0x83: {  	_ =	shalt  }
0x84: {  	_ =	shalt  }
0x85: {  	_ =	shalt  }
0x86: {  	_ =	shalt  }
0x87: {  	_ =	shalt  }
.Lfunc_end0:
.L_simem_size_0:
called_computation_lowered:
.L_overlay_start_0:
0x88: {  	s2 =	sld [smem:$0x3FD9]  }
0x89: {  	s3 =	sld [smem:$0x3FFE];
	_ =	sdelay $0x1  }
0x8a: {  	s1 =	srdreg.scid  }
0x8b: {  	s0 =	sand.u32 $0x1, s1  }
0x8c: {  	s17 =	sshll.u32 s0, $0xA;
	s2 =	sadd.s32 s3, s2  }
0x8d: {  	s2 =	sadd.s32 s2, s17  }
0x8e: {  	[smem:$0x3FBF] =	sst s2  }
0x8f: {  	_ = 	snop  }
0x90: {  	s18 =	sld [smem:$0x3FC9];
	(tm) =	ssettm $0x1  }
0x91: {  	s19 =	sld [smem:$0x3FFB];
	_ =	sdelay $0x3  }
0x92: {  	_ =	strace s19  }
0x93: {  	s2 =	sld [smem:$0x3FFC];
	_ =	sdelay $0x3  }
0x94: {  	_ =	strace s2  }
0x95: {  	s2 =	sld [smem:$0x3FFD];
	_ =	sdelay $0x3  }
0x96: {  	_ =	strace s2  }
0x97: {  	_ =	strace $0x8FFFFFFF  }
0x98: {  	s20 =	sld [smem:$0x3FDB];
	_ =	sdelay $0x1  }
0x99: {  	s4 =	simm.s32 $_scs_section_size  }
0x9a: {  	s5 =	simm.s32 $_size__tile_overlayer_lowered;
	s6 =	simm.s32 $_tile_overlayer_lowered  }
0x9b: {  	s7 =	simm.s32 $0x1BFF;
	s21 =	sshll.u32 s6, $0x1;
	s4 =	sadd.s32 s4, s20  }
0x9c: {  	s22 =	simm.s32 $0x0;
	s5 =	sshll.u32 s5, $0x1;
	s6 =	sadd.s32 s21, s4  }
0x9d: {  	[timem:s22], [sflag:s7] =	dma.local [hbm:s6], s5  }
0x9e: {  	_ =	swait.ge [sflag:s7], s5  }
0x9f: {  	s5 =	ssub.s32 $0x0, s5;
	[sflag:s7] =	ssyncset.done $0x0  }
0xa0: {  	[sflag:s7] =	ssyncadd.s32 s5;
	_ =	sdelay $0x1  }
0xa1: {  	s23 =	simm.s32 $0x1B8B  }
0xa2: {  	_ =	swait.ge [sflag:s23], $0x1  }
0xa3: {  	[sflag:s23] =	ssyncset.done $0x0  }
0xa4: {  	[sflag:s23] =	ssyncadd.s32 $0xFFFFFFFF  }
0xa5: {  	s5 =	sld [smem:$0x0]  }
0xa6: {  	s6 =	sand.u32 $0xFFFFFFFE, s1  }
0xa7: {  	p0 =	sne.s32 s1, s6  }
0xa8: {  	s6 =	sshll.u32 @p0 s6, $0xE  }
0xa9: {  	s6 =	sadd.s32 @p0 $0x11B8D, s6;
	s7 =	sshll.u32 @p0 s5, $0x11  }
0xaa: {  	s6 =	sor.u32 @p0 s7, s6  }
0xab: {  	[sflag:s6] =	ssyncadd.remote.s32 @p0 $0x1;
	_ =	sdelay $0x1  }
0xac: {  	s6 =	simm.s32 @p0 $0x1B8D  }
0xad: {  	_ =	swait.eq @p0 [sflag:s6], $0x1  }
0xae: {  	[sflag:s6] =	ssyncadd.s32 @p0 $0xFFFFFFFF  }
0xaf: {  	s7 =	sshll.u32 @!p0 s1, $0xE  }
0xb0: {  	s7 =	sor.u32 @!p0 $0x4000, s7;
	s6 =	simm.s32 @!p0 $0x1B8D  }
0xb1: {  	s5 =	sshll.u32 @!p0 s5, $0x11;
	s7 =	sadd.s32 @!p0 $0x11B8D, s7;
	_ =	swait.eq @!p0 [sflag:s6], $0x1  }
0xb2: {  	s5 =	sor.u32 @!p0 s5, s7;
	[sflag:s6] =	ssyncadd.s32 @!p0 $0xFFFFFFFF  }
0xb3: {  	s25 =	simm.s32 $0x1B8E;
	s24 =	sld [smem:$0x3FFE];
	[sflag:s5] =	ssyncadd.remote.s32 @!p0 $0x1  }
0xb4: {  	s26 =	simm.s32 $execute0_lowered;
	[smem:$0x3FD2] =	sst s25  }
0xb5: {  	s6 =	sshll.u32 s26, $0x1;
	_ =	strace $0x80000049;
	[dreg:$0x1] =	wrdreg $0xFFFFFFFF  }
0xb6: {  	s28 =	simm.s32 $_size_execute0_lowered;
	s4 =	sadd.s32 s4, s6;
	[dreg:$0x0] =	wrdreg $0x0  }
0xb7: {  	s6 =	sshll.u32 s28, $0x1;
	[dreg:$0x2] =	wrdreg s4  }
0xb8: {  	[dreg:$0x3] =	wrdreg s6  }
0xb9: {  	[dreg:$0x4] =	wrdreg $0xC0  }
0xba: {  	_ =	task [dreg:s22], $0x5FFFF  }
0xbb: {  	[dreg:$0x1] =	wrdreg $0xFFFFFFFF  }
0xbc: {  	[dreg:$0x0] =	wrdreg $0x60  }
0xbd: {  	[dreg:$0x2] =	wrdreg s18  }
0xbe: {  	[dreg:$0x3] =	wrdreg s24  }
0xbf: {  	[dreg:$0x4] =	wrdreg $0xA8000  }
0xc0: {  	[dreg:$0x5] =	wrdreg $0x9  }
0xc1: {  	_ =	task.clear_ibuf [dreg:s22], $0x6FFFF;
	_ =	strace $0x90000049  }
0xc2: {  	s29 =	simm.s32 $0x9;
	_ =	strace $0x8000004B  }
0xc3: {  	_ =	swait.ge [sflag:s29], $0x1  }
0xc4: {  	[sflag:s29] =	ssyncadd.s32 $0xFFFFFFFF  }
0xc5: {  	_ =	strace $0x9000004B  }
0xc6: {  	_ =	sfence  }
0xc7: {  	s30 =	sld [smem:$0x0];
	_ =	sdelay $0x2  }
0xc8: {  	s31 =	sshll.u32 s1, $0xD;
	s1 =	sshrl.u32 s1, $0x2  }
0xc9: {  	s4 =	sand.u32 $0x4000, s31;
	s1 =	sadd.s32 s1, s30  }
0xca: {  	s0 =	sor.u32 s4, s0;
	s1 =	sshll.u32 s1, $0x11  }
0xcb: {  	s0 =	sor.u32 s1, s0  }
0xcc: {  	s0 =	sadd.s32 $0x8F2B, s0  }
0xcd: {  	[sflag:s0] =	ssyncadd.remote.s32 $0x1  }
0xce: {  	_ =	sfence.sel $0xFFFF  }
0xcf: {  	[dreg:$0x0] =	wrdreg $0xFFFFFFFF;
	(pc) =	sbr.abs _section_cstart, $3  }
0xd0: {  	[dreg:$0x1] =	wrdreg $0xFFFFFFFF  }
0xd1: {  	_ =	task.clear_ibuf [dreg:s22], $0x2FFFF;
	_ =	strace $0x9FFFFFFF  }
0xd2: {  	(tm) =	ssettm $0x7FFFFFFF  }
0xd3: {  	_ =	shalt  }
tec
execute0_lowered:
.L_overlay_start_1:
0x0: {  	(tag) =	ssettag $0x1  }
0x1: {  	s1 =	rddreg [dreg:$0x0]  }
0x2: {  	s6 =	rddreg [dreg:$0x1]  }
0x3: {  	s3 =	rddreg [dreg:$0x2]  }
0x4: {  	s0 =	rddreg [dreg:$0x3];
	s5 =	srdreg.scid  }
0x5: {  	s4 =	simm.s32 $0x0;
	s2 =	stileid.u32;
	s13 =	simm.s32 $0x4000  }
0x6: {  	s14 =	simm.s32 $0x50;
	s15 =	simm.s32 $0x8000;
	s16 =	simm.s32 $0x1  }
0x7: {  	s17 =	simm.s32 $0x0;
	s7 =	sand.u32 $0x1, s5;
	s9 =	smul.u32 $0x2780, s2  }
0x8: {  	s8 =	sshll.u32 s2, $0xB;
	[smem:$0x7FF] =	sst s4;
	s11 =	smul.u32 $0x4F000, s2  }
0x9: {  	s31 =	sshll.u32 s2, $0x6;
	s5 =	sshll.u32 s7, $0xF;
	s26 =	smul.u32 $0x27800, s7  }
0xa: {  	_ =	strace $0x8000004A;
	s7 =	ssub.s32 $0x2, s7;
	s5 =	sor.u32 s8, s5  }
0xb: {  	s28 =	sshrl.u32 s7, $0x1;
	s29 =	sshrl.u32 s11, $0x2;
	s10 =	sadd.s32 s5, s6  }
0xc: {  	s5 =	sadd.s32 $0x11600, s6;
	s8 =	sadd.s32 s9, s26;
	s30 =	ssub.s32 s7, s28  }
0xd: {  	s12 =	sadd.s32 s29, s3;
	s9 =	sadd.s32 s8, s6;
	s6 =	sor.u32 $0x1C02, s31  }
0xe: {  	s7 =	sadd.s32 $0x1600, s10;
	s8 =	sadd.s32 $0x21CE00, s10;
	s10 =	smax.u32 s30, $0x1  }
0xf: {  	s11 =	sshrl.u32 s12, $0x3;
	s12 =	simm.s32 $0x2;
	s9 =	sadd.s32 $0x22CE00, s9  }
.LBB2_1:
0x10: {  	[spmem:s11], [sflag:s6] =	dma.local [hbm:s5], $0x2780  }
0x11: {  	_ =	swait.ge [sflag:s12], $0x2780  }
0x12: {  	[sflag:s12] =	ssyncset.done $0x0  }
0x13: {  	[sflag:s12] =	ssyncadd.s32 $0xFFFFD880  }
0x14: {  	[tilespmem:s4], [sflag:$0x2] =	stream.linear.gather [hbm4b:s7+s4], $0x3E80, $0x38;
	[tilespmem:$0x1E400] =	vst v63  }
0x15: {  	_ =	swait.ge [sflag:s12], $0x3E80  }
0x16: {  	[sflag:s12] =	ssyncset.done $0x0  }
0x17: {  	[sflag:s12] =	ssyncadd.s32 $0xFFFFC180  }
0x18: {  	[tilespmem:s13], [sflag:$0x2] =	stream.linear.gather [hbm4b:s8+s4], $0x3E80, $0x38;
	[tilespmem:$0x1E400] =	vst v63  }
0x19: {  	_ =	swait.ge [sflag:s12], $0x3E80  }
0x1a: {  	[sflag:s12] =	ssyncset.done $0x0  }
0x1b: {  	[sflag:s12] =	ssyncadd.s32 $0xFFFFC180  }
0x1c: {  	s18 =	simm.s32 $0x0;
	[bflag:$0x0] =	sbarrier.arrive $0xFFFF  }
0x1d: {  	[tilespmem:s15], [sflag:$0x1] =	stream.indirect.gather [hbm4b:s1+s14], $0x80, s18, s14, $0xb8;
	[tilespmem:$0x1E400] =	vst v63  }
0x1e: {  	_ =	swait.ge [sflag:s16], $0x2800  }
0x1f: {  	[sflag:s16] =	ssyncset.done $0x0  }
0x20: {  	s31 =	simm.s32 $0x4000;
	[sflag:s16] =	ssyncadd.s32 $0xFFFFD800  }
0x21: {  	[spmem:s3] =	stream.indirect.scatter.add.f32 [tilespmem:s15], [sflag:$0x2], $0x80, s31, s14, $0xb8;
	[tilespmem:$0x1E400] =	vst v63  }
0x22: {  	_ =	swait.ge [sflag:s12], $0x2800  }
0x23: {  	s19 =	simm.s32 $0x400;
	s18 =	simm.s32 $0x200;
	[sflag:s12] =	ssyncset.done $0x0  }
.LBB2_2:
0x24: {  	s20 =	sshra.s32 s18, $0x2  }
0x25: {  	[sflag:s12] =	ssyncadd.s32 $0xFFFFD800;
	s18 =	smov.u32 s19;
	s21 =	sadd.s32 $0x200, s19  }
0x26: {  	[tilespmem:s15], [sflag:$0x1] =	stream.indirect.gather [hbm4b:s1+s14], $0x80, s20, s14, $0xb8;
	[tilespmem:$0x1E400] =	vst v63  }
0x27: {  	p0 =	sne.s32 s19, $0xF800;
	_ =	swait.ge [sflag:s16], $0x2800  }
.Ltmp0:
0x28: {  	[sflag:s16] =	ssyncset.done $0x0;
	(pc) =	sbr.rel @p0 .LBB2_2-.Ltmp0, $4  }
0x29: {  	s19 =	sadd.s32 $0x4000, s20;
	[sflag:s16] =	ssyncadd.s32 $0xFFFFD800  }
0x2a: {  	[spmem:s3] =	stream.indirect.scatter.add.f32 [tilespmem:s15], [sflag:$0x2], $0x80, s19, s14, $0xb8;
	[tilespmem:$0x1E400] =	vst v63  }
0x2b: {  	_ =	swait.ge [sflag:s12], $0x2800  }
0x2c: {  	s19 =	smov.u32 s21;
	[sflag:s12] =	ssyncset.done $0x0  }
0x2d: {  	s18 =	sshra.s32 s18, $0x2;
	[sflag:s12] =	ssyncadd.s32 $0xFFFFD800  }
0x2e: {  	[tilespmem:s15], [sflag:$0x1] =	stream.indirect.gather [hbm4b:s1+s14], $0x80, s18, s14, $0xb8;
	[tilespmem:$0x1E400] =	vst v63  }
0x2f: {  	_ =	swait.ge [sflag:s16], $0x2800  }
0x30: {  	[sflag:s16] =	ssyncset.done $0x0  }
0x31: {  	s18 =	sadd.s32 $0x4000, s18;
	[sflag:s16] =	ssyncadd.s32 $0xFFFFD800  }
0x32: {  	[spmem:s3] =	stream.indirect.scatter.add.f32 [tilespmem:s15], [sflag:$0x2], $0x80, s18, s14, $0xb8;
	[tilespmem:$0x1E400] =	vst v63  }
0x33: {  	_ =	swait.ge [sflag:s12], $0x2800  }
0x34: {  	s17 =	sadd.s32 $0x1, s17;
	[sflag:s12] =	ssyncset.done $0x0  }
0x35: {  	p0 =	sne.s32 s17, s10;
	[sflag:s12] =	ssyncadd.s32 $0xFFFFD800  }
.Ltmp1:
0x36: {  	[bflag:$0x0] =	sbarrier.arrive $0xFFFF;
	(pc) =	sbr.rel @p0 .LBB2_1-.Ltmp1, $4  }
0x37: {  	[hbm:s9], [sflag:s6] =	dma.local [spmem:s11], $0x2780  }
0x38: {  	_ =	swait.ge [sflag:s12], $0x2780  }
0x39: {  	[sflag:s12] =	ssyncset.done $0x0  }
0x3a: {  	[sflag:s12] =	ssyncadd.s32 $0xFFFFD880  }
0x3b: {  	_ =	sfence.sel $0x180000  }
0x3c: {  	[bflag:$0x0] =	sbarrier.arrive $0xFFFF  }
0x3d: {  	p0 =	sne.s32 s2, $0x0;
	_ =	strace $0x9000004A  }
0x3e: {  	s0 =	sadd.s32 @!p0 $0x100000, s0;
	[bflag:$0x2] =	sbarrier.arrive $0xFFFF  }
0x3f: {  	[sflag:s0] =	ssyncadd.tile.s32 @!p0 $0x1;
	_ =	shalt  }
.Lfunc_end2:
_tile_overlayer_lowered:
.L_overlay_start_2:
0x40: {  	(tag) =	ssettag $0x2  }
0x41: {  	s0 =	rddreg [dreg:$0x0];
	s2 =	stileid.u32  }
0x42: {  	s1 =	rddreg [dreg:$0x1];
	p0 =	sne.s32 s2, $0x0  }
0x43: {  	s3 =	rddreg [dreg:$0x2];
	[bflag:$0x3] =	sbarrier.arrive $0xFFFF;
	s2 =	simm.s32 @!p0 $0x1C02  }
0x44: {  	[timem:s3], [sflag:s2] =	dma.local @!p0 [hbm:s0], s1  }
0x45: {  	s0 =	simm.s32 @!p0 $0x2  }
0x46: {  	_ =	swait.ge @!p0 [sflag:s0], s1  }
0x47: {  	s1 =	ssub.s32 @!p0 $0x0, s1;
	[sflag:s0] =	ssyncset.done @!p0 $0x0  }
0x48: {  	[sflag:s0] =	ssyncadd.s32 @!p0 s1  }
0x49: {  	[bflag:$0x3] =	sbarrier.arrive $0xFFFF  }
0x4a: {  	_ =	shalt  }

// kernel: kernel.8.cloned.1.call-start
scs
__scs_entry_jumppad:
0x0: {  	(pc) =	sbr.rel $0x88, $3  }
0x1: {  	(tag) =	ssettag $0x0;
	lr =	simm.s32 $0x1  }
0x2: {  	[smem:$0x3F98] =	sst lr;
	_ =	strace $0xD0000000  }
0x3: {  	_ = 	snop  }
0x4: {  	_ = 	snop  }
0x5: {  	_ = 	snop  }
0x6: {  	_ = 	snop  }
0x7: {  	_ = 	snop  }
__scs_overlays_trampoline_lowered:
0x8: {  	[smem:$0x3FA7] =	sst s0  }
0x9: {  	[smem:$0x3FA8] =	sst s1  }
0xa: {  	[smem:$0x3FA9] =	sst s2  }
0xb: {  	[smem:$0x3FAA] =	sst s3  }
0xc: {  	[smem:$0x3FAB] =	sst s4  }
0xd: {  	[smem:$0x3FAC] =	sst s5  }
0xe: {  	[smem:$0x3FAD] =	sst s6  }
0xf: {  	[smem:$0x3FAE] =	sst s7  }
0x10: {  	[smem:$0x3FAF] =	sst s8  }
0x11: {  	[smem:$0x3FB0] =	sst s9;
	s0 =	simm.s32 @!p0 $0x0  }
0x12: {  	s1 =	sld [smem:$0x3F96];
	s0 =	simm.s32 @p0 $0x1  }
0x13: {  	[smem:$0x3FB1] =	sst s0;
	s0 =	simm.s32 @!p1 $0x0  }
0x14: {  	s2 =	sld [smem:$0x3F95];
	s0 =	simm.s32 @p1 $0x1  }
0x15: {  	[smem:$0x3FB2] =	sst s0;
	s0 =	simm.s32 @!p2 $0x0  }
0x16: {  	s3 =	sld [smem:$0x3FDB];
	s0 =	simm.s32 @p2 $0x1  }
0x17: {  	s4 =	simm.s32 $0x1BF5;
	[smem:$0x3FB4] =	sst s0  }
0x18: {  	s0 =	sld [smem:$0x3F97];
	_ =	swait.ge [sflag:s4], $0x0  }
0x19: {  	s7 =	sld [smem:$0x3F98]  }
0x1a: {  	s8 =	sadd.s32 $0xFFFFE003, lr  }
0x1b: {  	s9 =	sadd.s32 $0xFFFFFEF7, lr;
	s5 =	simm.s32 $0xFFFFFFFF;
	p2 =	slt.u32 s8, $0xFFFFF086  }
0x1c: {  	p1 =	slt.u32 s9, $0xF7A;
	s5 =	simm.s32 @!p2 $0x0  }
0x1d: {  	s5 =	simm.s32 @p1 $0x1;
	p0 =	seq.s32 s7, s2  }
0x1e: {  	s7 =	smul.u32 @!p0 $0xF7A, s2;
	p2 =	seq.s32 @!p0 s5, $0x0  }
0x1f: {  	s9 =	smul.u32 $0xF7A, s1;
	s8 =	simm.s32 @!p0 $0x1BF5;
	p2 =	por !p2, p0  }
0x20: {  	[sflag:s8] =	ssyncset.s32 @!p0 $0xFFFFF086;
	s6 =	sadd.s32 @!p0 s3, s7;
	s7 =	simm.s32 @!p0 $0x108  }
0x21: {  	s3 =	sadd.s32 s3, s9;
	s6 =	sadd.s32 @!p0 $0x88, s6;
	s7 =	simm.s32 @p2 $0x1082  }
0x22: {  	[simem:s7], [sflag:s8] =	dma.local @!p0 [hbm:s6], $0xF7A  }
0x23: {  	s9 =	sor.u32 $0xD0000000, s2;
	s6 =	simm.s32 $0x108;
	_ =	swait.ge @!p0 [sflag:s8], $0x0  }
0x24: {  	s3 =	sadd.s32 $0x88, s3;
	s6 =	simm.s32 @!p1 $0x1082;
	[sflag:s4] =	ssyncset.s32 $0xFFFFF086  }
0x25: {  	[simem:s6], [sflag:s4] =	dma.local [hbm:s3], $0xF7A  }
0x26: {  	[smem:$0x3F98] =	sst s1;
	(tag) =	ssettag s2;
	_ =	strace s9  }
0x27: {  	s1 =	sld [smem:$0x3FA8]  }
0x28: {  	s2 =	sld [smem:$0x3FA9]  }
0x29: {  	s4 =	sld [smem:$0x3FAB]  }
0x2a: {  	p0 =	seq.s32 s5, $0x0;
	s5 =	sld [smem:$0x3FAC]  }
0x2b: {  	s6 =	sld [smem:$0x3FAD]  }
0x2c: {  	s7 =	sld [smem:$0x3FAE]  }
0x2d: {  	s3 =	simm.s32 $0x108;
	s8 =	sld [smem:$0x3FAF]  }
0x2e: {  	s3 =	simm.s32 @!p0 $0x1082;
	s9 =	sld [smem:$0x3FB0]  }
0x2f: {  	lr =	sadd.s32 s0, s3;
	s0 =	sld [smem:$0x3FA7]  }
0x30: {  	s3 =	sld [smem:$0x3FAA]  }
0x31: {  	[smem:$0x3FB3] =	sst s10  }
0x32: {  	s10 =	sld [smem:$0x3FB1];
	_ =	sdelay $0x3  }
0x33: {  	p0 =	seq.s32 s10, $0x1;
	s10 =	sld [smem:$0x3FB3];
	_ =	sdelay $0x3  }
0x34: {  	[smem:$0x3FB3] =	sst s10  }
0x35: {  	s10 =	sld [smem:$0x3FB2];
	_ =	sdelay $0x3  }
0x36: {  	p1 =	seq.s32 s10, $0x1;
	s10 =	sld [smem:$0x3FB3];
	_ =	sdelay $0x3  }
0x37: {  	[smem:$0x3FB3] =	sst s10  }
0x38: {  	s10 =	sld [smem:$0x3FB4]  }
0x39: {  	_ = 	snop;
	(pc) =	sbr.ind lr, $3  }
0x3a: {  	_ = 	snop  }
0x3b: {  	_ = 	snop  }
0x3c: {  	p2 =	seq.s32 s10, $0x1;
	s10 =	sld [smem:$0x3FB3]  }
0x3d: {  	_ =	shalt  }
0x3e: {  	_ =	shalt  }
0x3f: {  	_ =	shalt  }
0x40: {  	_ =	shalt  }
0x41: {  	_ =	shalt  }
0x42: {  	_ =	shalt  }
0x43: {  	_ =	shalt  }
0x44: {  	_ =	shalt  }
0x45: {  	_ =	shalt  }
0x46: {  	_ =	shalt  }
0x47: {  	_ =	shalt  }
0x48: {  	_ =	shalt  }
0x49: {  	_ =	shalt  }
0x4a: {  	_ =	shalt  }
0x4b: {  	_ =	shalt  }
0x4c: {  	_ =	shalt  }
0x4d: {  	_ =	shalt  }
0x4e: {  	_ =	shalt  }
0x4f: {  	_ =	shalt  }
0x50: {  	_ =	shalt  }
0x51: {  	_ =	shalt  }
0x52: {  	_ =	shalt  }
0x53: {  	_ =	shalt  }
0x54: {  	_ =	shalt  }
0x55: {  	_ =	shalt  }
0x56: {  	_ =	shalt  }
0x57: {  	_ =	shalt  }
0x58: {  	_ =	shalt  }
0x59: {  	_ =	shalt  }
0x5a: {  	_ =	shalt  }
0x5b: {  	_ =	shalt  }
0x5c: {  	_ =	shalt  }
0x5d: {  	_ =	shalt  }
0x5e: {  	_ =	shalt  }
0x5f: {  	_ =	shalt  }
0x60: {  	_ =	shalt  }
0x61: {  	_ =	shalt  }
0x62: {  	_ =	shalt  }
0x63: {  	_ =	shalt  }
0x64: {  	_ =	shalt  }
0x65: {  	_ =	shalt  }
0x66: {  	_ =	shalt  }
0x67: {  	_ =	shalt  }
0x68: {  	_ =	shalt  }
0x69: {  	_ =	shalt  }
0x6a: {  	_ =	shalt  }
0x6b: {  	_ =	shalt  }
0x6c: {  	_ =	shalt  }
0x6d: {  	_ =	shalt  }
0x6e: {  	_ =	shalt  }
0x6f: {  	_ =	shalt  }
0x70: {  	_ =	shalt  }
0x71: {  	_ =	shalt  }
0x72: {  	_ =	shalt  }
0x73: {  	_ =	shalt  }
0x74: {  	_ =	shalt  }
0x75: {  	_ =	shalt  }
0x76: {  	_ =	shalt  }
0x77: {  	_ =	shalt  }
0x78: {  	_ =	shalt  }
0x79: {  	_ =	shalt  }
0x7a: {  	_ =	shalt  }
0x7b: {  	_ =	shalt  }
0x7c: {  	_ =	shalt  }
0x7d: {  	_ =	shalt  }
0x7e: {  	_ =	shalt  }
0x7f: {  	_ =	shalt  }
0x80: {  	_ =	shalt  }
0x81: {  	_ =	shalt  }
0x82: {  	_ =	shalt  }
0x83: {  	_ =	shalt  }
0x84: {  	_ =	shalt  }
0x85: {  	_ =	shalt  }
0x86: {  	_ =	shalt  }
0x87: {  	_ =	shalt  }
.Lfunc_end0:
.L_simem_size_0:
called_computation.1_lowered:
.L_overlay_start_0:
0x88: {  	s2 =	sld [smem:$0x3FD9]  }
0x89: {  	s3 =	sld [smem:$0x3FFE];
	_ =	sdelay $0x1  }
0x8a: {  	s1 =	srdreg.scid  }
0x8b: {  	s0 =	sand.u32 $0x1, s1  }
0x8c: {  	s16 =	sshll.u32 s0, $0xA;
	s2 =	sadd.s32 s3, s2  }
0x8d: {  	s2 =	sadd.s32 s2, s16  }
0x8e: {  	[smem:$0x3FBF] =	sst s2  }
0x8f: {  	_ = 	snop  }
0x90: {  	(tm) =	ssettm $0x1  }
0x91: {  	s17 =	sld [smem:$0x3FFB];
	_ =	sdelay $0x3  }
0x92: {  	_ =	strace s17  }
0x93: {  	s2 =	sld [smem:$0x3FFC];
	_ =	sdelay $0x3  }
0x94: {  	_ =	strace s2  }
0x95: {  	s2 =	sld [smem:$0x3FFD];
	_ =	sdelay $0x3  }
0x96: {  	_ =	strace s2  }
0x97: {  	_ =	strace $0x8FFFFFFF  }
0x98: {  	s18 =	sld [smem:$0x3FDB];
	_ =	sdelay $0x1  }
0x99: {  	s19 =	simm.s32 $_scs_section_size  }
0x9a: {  	s4 =	simm.s32 $_size__tile_overlayer_lowered;
	s5 =	simm.s32 $_tile_overlayer_lowered  }
0x9b: {  	s22 =	simm.s32 $0x1BFF;
	s21 =	sshll.u32 s5, $0x1;
	s2 =	sadd.s32 s19, s18  }
0x9c: {  	s6 =	simm.s32 $0x0;
	s20 =	sshll.u32 s4, $0x1;
	s4 =	sadd.s32 s21, s2  }
0x9d: {  	[timem:s6], [sflag:s22] =	dma.local [hbm:s4], s20  }
0x9e: {  	_ =	swait.ge [sflag:s22], s20  }
0x9f: {  	s3 =	ssub.s32 $0x0, s20;
	[sflag:s22] =	ssyncset.done $0x0  }
0xa0: {  	[sflag:s22] =	ssyncadd.s32 s3;
	_ =	sdelay $0x1  }
0xa1: {  	s23 =	simm.s32 $0x1B8B  }
0xa2: {  	_ =	swait.ge [sflag:s23], $0x1  }
0xa3: {  	[sflag:s23] =	ssyncset.done $0x0  }
0xa4: {  	s25 =	simm.s32 $0x1B8E;
	s24 =	sld [smem:$0x3FFE];
	[sflag:s23] =	ssyncadd.s32 $0xFFFFFFFF  }
0xa5: {  	s26 =	simm.s32 $execute0_lowered;
	[smem:$0x3FD2] =	sst s25  }
0xa6: {  	s4 =	sshll.u32 s26, $0x1;
	_ =	strace $0x80000046;
	[dreg:$0x1] =	wrdreg $0xFFFFFFFF  }
0xa7: {  	s28 =	simm.s32 $_size_execute0_lowered;
	s2 =	sadd.s32 s2, s4;
	[dreg:$0x0] =	wrdreg $0x0  }
0xa8: {  	s4 =	sshll.u32 s28, $0x1;
	[dreg:$0x2] =	wrdreg s2  }
0xa9: {  	[dreg:$0x3] =	wrdreg s4  }
0xaa: {  	[dreg:$0x4] =	wrdreg $0xC0  }
0xab: {  	_ =	task [dreg:s6], $0x5FFFF  }
0xac: {  	[dreg:$0x1] =	wrdreg $0xFFFFFFFF  }
0xad: {  	[dreg:$0x0] =	wrdreg $0x60  }
0xae: {  	[dreg:$0x2] =	wrdreg s24  }
0xaf: {  	[dreg:$0x3] =	wrdreg $0x15800  }
0xb0: {  	[dreg:$0x4] =	wrdreg $0xA  }
0xb1: {  	_ =	task.clear_ibuf [dreg:s6], $0x5FFFF;
	_ =	strace $0x90000046  }
0xb2: {  	s29 =	simm.s32 $0xA;
	_ =	strace $0x80000048  }
0xb3: {  	_ =	swait.ge [sflag:s29], $0x1  }
0xb4: {  	[sflag:s29] =	ssyncadd.s32 $0xFFFFFFFF  }
0xb5: {  	_ =	strace $0x90000048  }
0xb6: {  	_ =	sfence  }
0xb7: {  	s30 =	sld [smem:$0x0];
	_ =	sdelay $0x2  }
0xb8: {  	s31 =	sshll.u32 s1, $0xD;
	s1 =	sshrl.u32 s1, $0x2  }
0xb9: {  	s3 =	sand.u32 $0x4000, s31;
	s1 =	sadd.s32 s1, s30  }
0xba: {  	s0 =	sor.u32 s3, s0;
	s1 =	sshll.u32 s1, $0x11  }
0xbb: {  	s0 =	sor.u32 s1, s0  }
0xbc: {  	s0 =	sadd.s32 $0x8F2B, s0  }
0xbd: {  	[sflag:s0] =	ssyncadd.remote.s32 $0x1  }
0xbe: {  	_ =	sfence.sel $0xFFFF  }
0xbf: {  	[dreg:$0x0] =	wrdreg $0xFFFFFFFF;
	(pc) =	sbr.abs _section_cstart, $3  }
0xc0: {  	[dreg:$0x1] =	wrdreg $0xFFFFFFFF  }
0xc1: {  	_ =	task.clear_ibuf [dreg:s6], $0x2FFFF;
	_ =	strace $0x9FFFFFFF  }
0xc2: {  	(tm) =	ssettm $0x7FFFFFFF  }
0xc3: {  	_ =	shalt  }
tec
execute0_lowered:
.L_overlay_start_1:
0x0: {  	(tag) =	ssettag $0x1  }
0x1: {  	s0 =	rddreg [dreg:$0x0]  }
0x2: {  	s2 =	rddreg [dreg:$0x1]  }
0x3: {  	s1 =	srdreg.scid;
	s8 =	stileid.u32  }
0x4: {  	s3 =	simm.s32 $0x0;
	s28 =	simm.s32 $0x980;
	s29 =	simm.s32 $0x180  }
0x5: {  	s30 =	simm.s32 $0xA00;
	s31 =	simm.s32 $0x200;
	s9 =	simm.s32 $0x380  }
0x6: {  	s10 =	simm.s32 $0xC00;
	s11 =	simm.s32 $0x400;
	s12 =	simm.s32 $0xC80  }
0x7: {  	s13 =	simm.s32 $0x480;
	s1 =	sand.u32 $0x1, s1;
	s5 =	smul.u32 $0x2780, s8  }
0x8: {  	[smem:$0x7FF] =	sst s3;
	s6 =	sadd.s32 $0x1F000, s0;
	s24 =	smul.u32 $0x7D0, s8  }
0x9: {  	s8 =	simm.s32 $0xB80;
	s4 =	smul.u32 $0x27800, s1;
	_ =	strace $0x80000047  }
0xa: {  	[dreg:$0x3] =	wrdreg s6;
	s7 =	ssub.s32 $0x2, s1;
	s1 =	smul.u32 $0x7D00, s1  }
0xb: {  	s15 =	sshrl.u32 s7, $0x1;
	s16 =	sadd.s32 s5, s2;
	s14 =	sadd.s32 s5, s4  }
0xc: {  	s4 =	sadd.s32 $0x119000, s0;
	s18 =	sadd.s32 $0x500, s16;
	[dreg:$0x4] =	wrdreg s16  }
0xd: {  	s17 =	ssub.s32 s7, s15;
	s19 =	sadd.s32 $0xA00, s16;
	[dreg:$0x5] =	wrdreg s18  }
0xe: {  	s20 =	sadd.s32 $0xF00, s16;
	s21 =	sadd.s32 $0x1400, s16;
	[dreg:$0x6] =	wrdreg s19  }
0xf: {  	s22 =	sadd.s32 $0x1900, s16;
	s23 =	sadd.s32 $0x1E00, s16;
	[dreg:$0x7] =	wrdreg s20  }
0x10: {  	s25 =	sadd.s32 $0x2300, s16;
	s15 =	sadd.s32 s24, s1;
	[dreg:$0x8] =	wrdreg s21  }
0x11: {  	s24 =	simm.s32 $0x880;
	s1 =	simm.s32 $0x280;
	[dreg:$0x9] =	wrdreg s22  }
0x12: {  	s7 =	simm.s32 $0x300;
	s6 =	sshrl.u32 s14, $0x3;
	[dreg:$0xa] =	wrdreg s23  }
0x13: {  	[dreg:$0xb] =	wrdreg s25;
	s26 =	smax.u32 s17, $0x1;
	s17 =	simm.s32 $0x3  }
0x14: {  	s18 =	simm.s32 $0x10;
	s19 =	simm.s32 $0x1000;
	s20 =	simm.s32 $0x800  }
0x15: {  	s21 =	simm.s32 $0x1;
	s22 =	simm.s32 $0x2;
	s23 =	simm.s32 $0x80  }
0x16: {  	s25 =	simm.s32 $0x900;
	s14 =	simm.s32 $0x0;
	s0 =	sadd.s32 s6, s0  }
0x17: {  	[dreg:$0xd] =	wrdreg s26;
	s26 =	simm.s32 $0x100;
	s0 =	sadd.s32 $0x213000, s0  }
0x18: {  	v0 =	vimm.f32 $0.0e+00;
	v1 =	vlaneseq.u32;
	s6 =	simm.s32 $0xB00;
	[dreg:$0xc] =	wrdreg s0;
	s0 =	simm.s32 $0xA80  }
.LBB2_1:
0x19: {  	[tilespmem:$0x1080] =	vst v0  }
0x1a: {  	[tilespmem:$0x1090] =	vst v0  }
0x1b: {  	[tilespmem:$0x10A0] =	vst v0  }
0x1c: {  	[tilespmem:$0x10B0] =	vst v0  }
0x1d: {  	[tilespmem:$0x10C0] =	vst v0  }
0x1e: {  	[tilespmem:$0x10D0] =	vst v0  }
0x1f: {  	[tilespmem:$0x10E0] =	vst v0  }
0x20: {  	[tilespmem:$0x10F0] =	vst v0  }
0x21: {  	[tilespmem:$0x1100] =	vst v0  }
0x22: {  	[tilespmem:$0x1110] =	vst v0  }
0x23: {  	[tilespmem:$0x1120] =	vst v0  }
0x24: {  	[tilespmem:$0x1130] =	vst v0  }
0x25: {  	[tilespmem:$0x1140] =	vst v0  }
0x26: {  	[tilespmem:$0x1150] =	vst v0  }
0x27: {  	[tilespmem:$0x1160] =	vst v0  }
0x28: {  	[tilespmem:$0x1170] =	vst v0  }
0x29: {  	[tilespmem:$0x1180] =	vst v0  }
0x2a: {  	[tilespmem:$0x1190] =	vst v0  }
0x2b: {  	[tilespmem:$0x11A0] =	vst v0  }
0x2c: {  	[tilespmem:$0x11B0] =	vst v0  }
0x2d: {  	[tilespmem:$0x11C0] =	vst v0  }
0x2e: {  	[tilespmem:$0x11D0] =	vst v0  }
0x2f: {  	[tilespmem:$0x11E0] =	vst v0  }
0x30: {  	[tilespmem:$0x11F0] =	vst v0  }
0x31: {  	[tilespmem:$0x1200] =	vst v0  }
0x32: {  	[tilespmem:$0x1210] =	vst v0  }
0x33: {  	[tilespmem:$0x1220] =	vst v0  }
0x34: {  	[tilespmem:$0x1230] =	vst v0  }
0x35: {  	[tilespmem:$0x1240] =	vst v0  }
0x36: {  	[tilespmem:$0x1250] =	vst v0  }
0x37: {  	[tilespmem:$0x1260] =	vst v0  }
0x38: {  	[tilespmem:$0x1270] =	vst v0  }
0x39: {  	[tilespmem:$0x1280] =	vst v0  }
0x3a: {  	[tilespmem:$0x1290] =	vst v0  }
0x3b: {  	[tilespmem:$0x12A0] =	vst v0  }
0x3c: {  	[tilespmem:$0x12B0] =	vst v0  }
0x3d: {  	[tilespmem:$0x12C0] =	vst v0  }
0x3e: {  	[tilespmem:$0x12D0] =	vst v0  }
0x3f: {  	[tilespmem:$0x12E0] =	vst v0  }
0x40: {  	[tilespmem:$0x12F0] =	vst v0  }
0x41: {  	[tilespmem:$0x1300] =	vst v0  }
0x42: {  	[tilespmem:$0x1310] =	vst v0  }
0x43: {  	[tilespmem:$0x1320] =	vst v0  }
0x44: {  	[tilespmem:$0x1330] =	vst v0  }
0x45: {  	[tilespmem:$0x1340] =	vst v0  }
0x46: {  	[tilespmem:$0x1350] =	vst v0  }
0x47: {  	[tilespmem:$0x1360] =	vst v0  }
0x48: {  	[tilespmem:$0x1370] =	vst v0  }
0x49: {  	[tilespmem:$0x1380] =	vst v0  }
0x4a: {  	[tilespmem:$0x1390] =	vst v0  }
0x4b: {  	[tilespmem:$0x13A0] =	vst v0  }
0x4c: {  	[tilespmem:$0x13B0] =	vst v0  }
0x4d: {  	[tilespmem:$0x13C0] =	vst v0  }
0x4e: {  	[tilespmem:$0x13D0] =	vst v0  }
0x4f: {  	[tilespmem:$0x13E0] =	vst v0  }
0x50: {  	[tilespmem:$0x13F0] =	vst v0  }
0x51: {  	[tilespmem:$0x1400] =	vst v0  }
0x52: {  	[tilespmem:$0x1410] =	vst v0  }
0x53: {  	[tilespmem:$0x1420] =	vst v0  }
0x54: {  	[tilespmem:$0x1430] =	vst v0  }
0x55: {  	[tilespmem:$0x1440] =	vst v0  }
0x56: {  	[tilespmem:$0x1450] =	vst v0  }
0x57: {  	[tilespmem:$0x1460] =	vst v0  }
0x58: {  	[tilespmem:$0x1470] =	vst v0  }
0x59: {  	[tilespmem:$0x1480] =	vst v0  }
0x5a: {  	[tilespmem:$0x1490] =	vst v0  }
0x5b: {  	[tilespmem:$0x14A0] =	vst v0  }
0x5c: {  	[tilespmem:$0x14B0] =	vst v0  }
0x5d: {  	[tilespmem:$0x14C0] =	vst v0  }
0x5e: {  	[tilespmem:$0x14D0] =	vst v0  }
0x5f: {  	[tilespmem:$0x14E0] =	vst v0  }
0x60: {  	[tilespmem:$0x14F0] =	vst v0  }
0x61: {  	[tilespmem:$0x1500] =	vst v0  }
0x62: {  	[tilespmem:$0x1510] =	vst v0  }
0x63: {  	[tilespmem:$0x1520] =	vst v0  }
0x64: {  	[tilespmem:$0x1530] =	vst v0  }
0x65: {  	[tilespmem:$0x1540] =	vst v0  }
0x66: {  	[tilespmem:$0x1550] =	vst v0  }
0x67: {  	[tilespmem:$0x1560] =	vst v0  }
0x68: {  	[dreg:$0xe] =	wrdreg s14;
	[tilespmem:$0x1570] =	vst v0;
	s14 =	simm.s32 $0x1080  }
0x69: {  	[spmem:s16] =	stream.linear.scatter [tilespmem:s14], [sflag:$0x3], $0x500, $0x38;
	[tilespmem:$0x3D00] =	vst v63  }
0x6a: {  	_ =	swait.ge [sflag:s17], $0x500  }
0x6b: {  	[sflag:s17] =	ssyncset.done $0x0  }
0x6c: {  	s5 =	rddreg [dreg:$0x5];
	[sflag:s17] =	ssyncadd.s32 $0xFFFFFB00  }
0x6d: {  	[spmem:s5] =	stream.linear.scatter [tilespmem:s14], [sflag:$0x3], $0x500, $0x38;
	[tilespmem:$0x3D00] =	vst v63  }
0x6e: {  	_ =	swait.ge [sflag:s17], $0x500  }
0x6f: {  	[sflag:s17] =	ssyncset.done $0x0  }
0x70: {  	s16 =	rddreg [dreg:$0x6];
	[sflag:s17] =	ssyncadd.s32 $0xFFFFFB00  }
0x71: {  	[spmem:s16] =	stream.linear.scatter [tilespmem:s14], [sflag:$0x3], $0x500, $0x38;
	[tilespmem:$0x3D00] =	vst v63  }
0x72: {  	_ =	swait.ge [sflag:s17], $0x500  }
0x73: {  	[sflag:s17] =	ssyncset.done $0x0  }
0x74: {  	s16 =	rddreg [dreg:$0x7];
	[sflag:s17] =	ssyncadd.s32 $0xFFFFFB00  }
0x75: {  	[spmem:s16] =	stream.linear.scatter [tilespmem:s14], [sflag:$0x3], $0x500, $0x38;
	[tilespmem:$0x3D00] =	vst v63  }
0x76: {  	_ =	swait.ge [sflag:s17], $0x500  }
0x77: {  	[sflag:s17] =	ssyncset.done $0x0  }
0x78: {  	s16 =	rddreg [dreg:$0x8];
	[sflag:s17] =	ssyncadd.s32 $0xFFFFFB00  }
0x79: {  	[spmem:s16] =	stream.linear.scatter [tilespmem:s14], [sflag:$0x3], $0x500, $0x38;
	[tilespmem:$0x3D00] =	vst v63  }
0x7a: {  	_ =	swait.ge [sflag:s17], $0x500  }
0x7b: {  	[sflag:s17] =	ssyncset.done $0x0  }
0x7c: {  	s16 =	rddreg [dreg:$0x9];
	[sflag:s17] =	ssyncadd.s32 $0xFFFFFB00  }
0x7d: {  	[spmem:s16] =	stream.linear.scatter [tilespmem:s14], [sflag:$0x3], $0x500, $0x38;
	[tilespmem:$0x3D00] =	vst v63  }
0x7e: {  	_ =	swait.ge [sflag:s17], $0x500  }
0x7f: {  	[sflag:s17] =	ssyncset.done $0x0  }
0x80: {  	s16 =	rddreg [dreg:$0xa];
	[sflag:s17] =	ssyncadd.s32 $0xFFFFFB00  }
0x81: {  	[spmem:s16] =	stream.linear.scatter [tilespmem:s14], [sflag:$0x3], $0x500, $0x38;
	[tilespmem:$0x3D00] =	vst v63  }
0x82: {  	_ =	swait.ge [sflag:s17], $0x500  }
0x83: {  	[sflag:s17] =	ssyncset.done $0x0  }
0x84: {  	s16 =	rddreg [dreg:$0xb];
	[sflag:s17] =	ssyncadd.s32 $0xFFFFFB00  }
0x85: {  	[spmem:s16] =	stream.linear.scatter [tilespmem:s14], [sflag:$0x3], $0x480, $0x38;
	[tilespmem:$0x3D00] =	vst v63  }
0x86: {  	_ =	swait.ge [sflag:s17], $0x480  }
0x87: {  	[sflag:s17] =	ssyncset.done $0x0  }
0x88: {  	s16 =	sadd.s32 $0x0, s15;
	[sflag:s17] =	ssyncadd.s32 $0xFFFFFB80  }
0x89: {  	v2 =	vor.u32 s16, v1;
	[bflag:$0x0] =	sbarrier.arrive $0xFFFF  }
0x8a: {  	s17 =	rddreg [dreg:$0x3];
	[tilespmem:$0x1000] =	vst v2  }
0x8b: {  	[tilespmem:s3], [sflag:$0x1] =	stream.indirect.gather [hbm4b:s17+s18], $0x80, s19, s18, $0xb8;
	[tilespmem:$0x3D00] =	vst v63  }
0x8c: {  	_ = 	snop  }
0x8d: {  	[tilespmem:s20], [sflag:$0x2] =	stream.indirect.gather [hbm4b:s4+s18], $0x80, s19, s18, $0xb8;
	[tilespmem:$0x3D00] =	vst v63  }
0x8e: {  	_ =	swait.ge [sflag:s21], $0x800  }
0x8f: {  	[sflag:s21] =	ssyncset.done $0x0  }
0x90: {  	[sflag:s21] =	ssyncadd.s32 $0xFFFFF800  }
0x91: {  	_ =	swait.ge [sflag:s22], $0x800  }
0x92: {  	[sflag:s22] =	ssyncset.done $0x0  }
0x93: {  	[sflag:s22] =	ssyncadd.s32 $0xFFFFF800  }
0x94: {  	[spmem:s2] =	stream.indirect.scatter.add.f32 [tilespmem:s3], [sflag:$0x1], $0x1, s20, s23, $0xb8;
	[tilespmem:$0x3D00] =	vst v63  }
0x95: {  	_ = 	snop  }
0x96: {  	[spmem:s2] =	stream.indirect.scatter.add.f32 [tilespmem:s23], [sflag:$0x1], $0x1, s24, s23, $0xb8;
	[tilespmem:$0x3D00] =	vst v63  }
0x97: {  	_ = 	snop  }
0x98: {  	[spmem:s2] =	stream.indirect.scatter.add.f32 [tilespmem:s26], [sflag:$0x1], $0x1, s25, s23, $0xb8;
	[tilespmem:$0x3D00] =	vst v63  }
0x99: {  	_ = 	snop  }
0x9a: {  	[spmem:s2] =	stream.indirect.scatter.add.f32 [tilespmem:s29], [sflag:$0x1], $0x1, s28, s23, $0xb8;
	[tilespmem:$0x3D00] =	vst v63  }
0x9b: {  	_ = 	snop  }
0x9c: {  	[spmem:s2] =	stream.indirect.scatter.add.f32 [tilespmem:s31], [sflag:$0x1], $0x1, s30, s23, $0xb8;
	[tilespmem:$0x3D00] =	vst v63  }
0x9d: {  	_ = 	snop  }
0x9e: {  	[spmem:s2] =	stream.indirect.scatter.add.f32 [tilespmem:s1], [sflag:$0x1], $0x1, s0, s23, $0xb8;
	[tilespmem:$0x3D00] =	vst v63  }
0x9f: {  	_ = 	snop  }
0xa0: {  	[spmem:s2] =	stream.indirect.scatter.add.f32 [tilespmem:s7], [sflag:$0x1], $0x1, s6, s23, $0xb8;
	[tilespmem:$0x3D00] =	vst v63  }
0xa1: {  	_ = 	snop  }
0xa2: {  	[spmem:s2] =	stream.indirect.scatter.add.f32 [tilespmem:s9], [sflag:$0x1], $0x1, s8, s23, $0xb8;
	[tilespmem:$0x3D00] =	vst v63  }
0xa3: {  	_ = 	snop  }
0xa4: {  	[spmem:s2] =	stream.indirect.scatter.add.f32 [tilespmem:s11], [sflag:$0x1], $0x1, s10, s23, $0xb8;
	[tilespmem:$0x3D00] =	vst v63  }
0xa5: {  	_ = 	snop  }
0xa6: {  	[spmem:s2] =	stream.indirect.scatter.add.f32 [tilespmem:s13], [sflag:$0x1], $0x1, s12, s23, $0xb8;
	[tilespmem:$0x3D00] =	vst v63  }
0xa7: {  	_ =	swait.ge [sflag:s21], $0x80  }
0xa8: {  	[sflag:s21] =	ssyncset.done $0x0  }
0xa9: {  	[sflag:s21] =	ssyncadd.s32 $0xFFFFFF80  }
0xaa: {  	_ =	swait.ge [sflag:s21], $0x80  }
0xab: {  	[sflag:s21] =	ssyncset.done $0x0  }
0xac: {  	[sflag:s21] =	ssyncadd.s32 $0xFFFFFF80  }
0xad: {  	_ =	swait.ge [sflag:s21], $0x80  }
0xae: {  	[sflag:s21] =	ssyncset.done $0x0  }
0xaf: {  	[sflag:s21] =	ssyncadd.s32 $0xFFFFFF80  }
0xb0: {  	_ =	swait.ge [sflag:s21], $0x80  }
0xb1: {  	[sflag:s21] =	ssyncset.done $0x0  }
0xb2: {  	[sflag:s21] =	ssyncadd.s32 $0xFFFFFF80  }
0xb3: {  	_ =	swait.ge [sflag:s21], $0x80  }
0xb4: {  	[sflag:s21] =	ssyncset.done $0x0  }
0xb5: {  	[sflag:s21] =	ssyncadd.s32 $0xFFFFFF80  }
0xb6: {  	_ =	swait.ge [sflag:s21], $0x80  }
0xb7: {  	[sflag:s21] =	ssyncset.done $0x0  }
0xb8: {  	[sflag:s21] =	ssyncadd.s32 $0xFFFFFF80  }
0xb9: {  	_ =	swait.ge [sflag:s21], $0x80  }
0xba: {  	[sflag:s21] =	ssyncset.done $0x0  }
0xbb: {  	[sflag:s21] =	ssyncadd.s32 $0xFFFFFF80  }
0xbc: {  	_ =	swait.ge [sflag:s21], $0x80  }
0xbd: {  	[sflag:s21] =	ssyncset.done $0x0  }
0xbe: {  	[sflag:s21] =	ssyncadd.s32 $0xFFFFFF80  }
0xbf: {  	_ =	swait.ge [sflag:s21], $0x80  }
0xc0: {  	[sflag:s21] =	ssyncset.done $0x0  }
0xc1: {  	[sflag:s21] =	ssyncadd.s32 $0xFFFFFF80  }
0xc2: {  	s5 =	simm.s32 $0x20;
	_ =	swait.ge [sflag:s21], $0x80  }
0xc3: {  	s16 =	sadd.s32 $0x10, s15;
	s14 =	rddreg [dreg:$0x3];
	[sflag:s21] =	ssyncset.done $0x0  }
.LBB2_2:
0xc4: {  	v2 =	vor.u32 s16, v1;
	[sflag:s21] =	ssyncadd.s32 $0xFFFFFF80  }
0xc5: {  	[tilespmem:$0x1000] =	vst v2  }
0xc6: {  	[tilespmem:s3], [sflag:$0x1] =	stream.indirect.gather [hbm4b:s14+s18], $0x80, s19, s18, $0xb8;
	[tilespmem:$0x3D00] =	vst v63  }
0xc7: {  	_ = 	snop  }
0xc8: {  	[tilespmem:s20], [sflag:$0x2] =	stream.indirect.gather [hbm4b:s4+s18], $0x80, s19, s18, $0xb8;
	[tilespmem:$0x3D00] =	vst v63  }
0xc9: {  	_ =	swait.ge [sflag:s21], $0x800  }
0xca: {  	[sflag:s21] =	ssyncset.done $0x0  }
0xcb: {  	[sflag:s21] =	ssyncadd.s32 $0xFFFFF800  }
0xcc: {  	_ =	swait.ge [sflag:s22], $0x800  }
0xcd: {  	[sflag:s22] =	ssyncset.done $0x0  }
0xce: {  	[sflag:s22] =	ssyncadd.s32 $0xFFFFF800  }
0xcf: {  	[spmem:s2] =	stream.indirect.scatter.add.f32 [tilespmem:s3], [sflag:$0x1], $0x1, s20, s23, $0xb8;
	[tilespmem:$0x3D00] =	vst v63  }
0xd0: {  	_ = 	snop  }
0xd1: {  	[spmem:s2] =	stream.indirect.scatter.add.f32 [tilespmem:s23], [sflag:$0x1], $0x1, s24, s23, $0xb8;
	[tilespmem:$0x3D00] =	vst v63  }
0xd2: {  	_ = 	snop  }
0xd3: {  	[spmem:s2] =	stream.indirect.scatter.add.f32 [tilespmem:s26], [sflag:$0x1], $0x1, s25, s23, $0xb8;
	[tilespmem:$0x3D00] =	vst v63  }
0xd4: {  	_ = 	snop  }
0xd5: {  	[spmem:s2] =	stream.indirect.scatter.add.f32 [tilespmem:s29], [sflag:$0x1], $0x1, s28, s23, $0xb8;
	[tilespmem:$0x3D00] =	vst v63  }
0xd6: {  	_ = 	snop  }
0xd7: {  	[spmem:s2] =	stream.indirect.scatter.add.f32 [tilespmem:s31], [sflag:$0x1], $0x1, s30, s23, $0xb8;
	[tilespmem:$0x3D00] =	vst v63  }
0xd8: {  	_ = 	snop  }
0xd9: {  	[spmem:s2] =	stream.indirect.scatter.add.f32 [tilespmem:s1], [sflag:$0x1], $0x1, s0, s23, $0xb8;
	[tilespmem:$0x3D00] =	vst v63  }
0xda: {  	_ = 	snop  }
0xdb: {  	[spmem:s2] =	stream.indirect.scatter.add.f32 [tilespmem:s7], [sflag:$0x1], $0x1, s6, s23, $0xb8;
	[tilespmem:$0x3D00] =	vst v63  }
0xdc: {  	_ = 	snop  }
0xdd: {  	[spmem:s2] =	stream.indirect.scatter.add.f32 [tilespmem:s9], [sflag:$0x1], $0x1, s8, s23, $0xb8;
	[tilespmem:$0x3D00] =	vst v63  }
0xde: {  	_ = 	snop  }
0xdf: {  	[spmem:s2] =	stream.indirect.scatter.add.f32 [tilespmem:s11], [sflag:$0x1], $0x1, s10, s23, $0xb8;
	[tilespmem:$0x3D00] =	vst v63  }
0xe0: {  	_ = 	snop  }
0xe1: {  	[spmem:s2] =	stream.indirect.scatter.add.f32 [tilespmem:s13], [sflag:$0x1], $0x1, s12, s23, $0xb8;
	[tilespmem:$0x3D00] =	vst v63  }
0xe2: {  	_ =	swait.ge [sflag:s21], $0x80  }
0xe3: {  	[sflag:s21] =	ssyncset.done $0x0  }
0xe4: {  	[sflag:s21] =	ssyncadd.s32 $0xFFFFFF80  }
0xe5: {  	_ =	swait.ge [sflag:s21], $0x80  }
0xe6: {  	[sflag:s21] =	ssyncset.done $0x0  }
0xe7: {  	[sflag:s21] =	ssyncadd.s32 $0xFFFFFF80  }
0xe8: {  	_ =	swait.ge [sflag:s21], $0x80  }
0xe9: {  	[sflag:s21] =	ssyncset.done $0x0  }
0xea: {  	[sflag:s21] =	ssyncadd.s32 $0xFFFFFF80  }
0xeb: {  	_ =	swait.ge [sflag:s21], $0x80  }
0xec: {  	[sflag:s21] =	ssyncset.done $0x0  }
0xed: {  	[sflag:s21] =	ssyncadd.s32 $0xFFFFFF80  }
0xee: {  	_ =	swait.ge [sflag:s21], $0x80  }
0xef: {  	[sflag:s21] =	ssyncset.done $0x0  }
0xf0: {  	[sflag:s21] =	ssyncadd.s32 $0xFFFFFF80  }
0xf1: {  	_ =	swait.ge [sflag:s21], $0x80  }
0xf2: {  	[sflag:s21] =	ssyncset.done $0x0  }
0xf3: {  	[sflag:s21] =	ssyncadd.s32 $0xFFFFFF80  }
0xf4: {  	_ =	swait.ge [sflag:s21], $0x80  }
0xf5: {  	[sflag:s21] =	ssyncset.done $0x0  }
0xf6: {  	[sflag:s21] =	ssyncadd.s32 $0xFFFFFF80  }
0xf7: {  	_ =	swait.ge [sflag:s21], $0x80  }
0xf8: {  	[sflag:s21] =	ssyncset.done $0x0  }
0xf9: {  	p0 =	sne.s32 s5, $0x7C0;
	[sflag:s21] =	ssyncadd.s32 $0xFFFFFF80  }
.Ltmp0:
0xfa: {  	_ =	swait.ge [sflag:s21], $0x80;
	(pc) =	sbr.rel @p0 .LBB2_2-.Ltmp0, $4  }
0xfb: {  	[sflag:s21] =	ssyncset.done $0x0  }
0xfc: {  	[sflag:s21] =	ssyncadd.s32 $0xFFFFFF80  }
0xfd: {  	s17 =	smov.u32 s5;
	s5 =	sadd.s32 $0x10, s5;
	_ =	swait.ge [sflag:s21], $0x80  }
0xfe: {  	s16 =	sadd.s32 s17, s15;
	s14 =	rddreg [dreg:$0x3];
	[sflag:s21] =	ssyncset.done $0x0  }
0xff: {  	v2 =	vor.u32 s16, v1;
	[sflag:s21] =	ssyncadd.s32 $0xFFFFFF80  }
0x100: {  	[tilespmem:$0x1000] =	vst v2  }
0x101: {  	[tilespmem:s3], [sflag:$0x1] =	stream.indirect.gather [hbm4b:s14+s18], $0x80, s19, s18, $0xb8;
	[tilespmem:$0x3D00] =	vst v63  }
0x102: {  	_ = 	snop  }
0x103: {  	[tilespmem:s20], [sflag:$0x2] =	stream.indirect.gather [hbm4b:s4+s18], $0x80, s19, s18, $0xb8;
	[tilespmem:$0x3D00] =	vst v63  }
0x104: {  	_ =	swait.ge [sflag:s21], $0x800  }
0x105: {  	[sflag:s21] =	ssyncset.done $0x0  }
0x106: {  	[sflag:s21] =	ssyncadd.s32 $0xFFFFF800  }
0x107: {  	_ =	swait.ge [sflag:s22], $0x800  }
0x108: {  	[sflag:s22] =	ssyncset.done $0x0  }
0x109: {  	[sflag:s22] =	ssyncadd.s32 $0xFFFFF800  }
0x10a: {  	[spmem:s2] =	stream.indirect.scatter.add.f32 [tilespmem:s3], [sflag:$0x1], $0x1, s20, s23, $0xb8;
	[tilespmem:$0x3D00] =	vst v63  }
0x10b: {  	_ = 	snop  }
0x10c: {  	[spmem:s2] =	stream.indirect.scatter.add.f32 [tilespmem:s23], [sflag:$0x1], $0x1, s24, s23, $0xb8;
	[tilespmem:$0x3D00] =	vst v63  }
0x10d: {  	_ = 	snop  }
0x10e: {  	[spmem:s2] =	stream.indirect.scatter.add.f32 [tilespmem:s26], [sflag:$0x1], $0x1, s25, s23, $0xb8;
	[tilespmem:$0x3D00] =	vst v63  }
0x10f: {  	_ = 	snop  }
0x110: {  	[spmem:s2] =	stream.indirect.scatter.add.f32 [tilespmem:s29], [sflag:$0x1], $0x1, s28, s23, $0xb8;
	[tilespmem:$0x3D00] =	vst v63  }
0x111: {  	_ = 	snop  }
0x112: {  	[spmem:s2] =	stream.indirect.scatter.add.f32 [tilespmem:s31], [sflag:$0x1], $0x1, s30, s23, $0xb8;
	[tilespmem:$0x3D00] =	vst v63  }
0x113: {  	_ = 	snop  }
0x114: {  	[spmem:s2] =	stream.indirect.scatter.add.f32 [tilespmem:s1], [sflag:$0x1], $0x1, s0, s23, $0xb8;
	[tilespmem:$0x3D00] =	vst v63  }
0x115: {  	_ = 	snop  }
0x116: {  	[spmem:s2] =	stream.indirect.scatter.add.f32 [tilespmem:s7], [sflag:$0x1], $0x1, s6, s23, $0xb8;
	[tilespmem:$0x3D00] =	vst v63  }
0x117: {  	_ = 	snop  }
0x118: {  	[spmem:s2] =	stream.indirect.scatter.add.f32 [tilespmem:s9], [sflag:$0x1], $0x1, s8, s23, $0xb8;
	[tilespmem:$0x3D00] =	vst v63  }
0x119: {  	_ = 	snop  }
0x11a: {  	[spmem:s2] =	stream.indirect.scatter.add.f32 [tilespmem:s11], [sflag:$0x1], $0x1, s10, s23, $0xb8;
	[tilespmem:$0x3D00] =	vst v63  }
0x11b: {  	_ = 	snop  }
0x11c: {  	[spmem:s2] =	stream.indirect.scatter.add.f32 [tilespmem:s13], [sflag:$0x1], $0x1, s12, s23, $0xb8;
	[tilespmem:$0x3D00] =	vst v63  }
0x11d: {  	_ =	swait.ge [sflag:s21], $0x80  }
0x11e: {  	[sflag:s21] =	ssyncset.done $0x0  }
0x11f: {  	[sflag:s21] =	ssyncadd.s32 $0xFFFFFF80  }
0x120: {  	_ =	swait.ge [sflag:s21], $0x80  }
0x121: {  	[sflag:s21] =	ssyncset.done $0x0  }
0x122: {  	[sflag:s21] =	ssyncadd.s32 $0xFFFFFF80  }
0x123: {  	_ =	swait.ge [sflag:s21], $0x80  }
0x124: {  	[sflag:s21] =	ssyncset.done $0x0  }
0x125: {  	[sflag:s21] =	ssyncadd.s32 $0xFFFFFF80  }
0x126: {  	_ =	swait.ge [sflag:s21], $0x80  }
0x127: {  	[sflag:s21] =	ssyncset.done $0x0  }
0x128: {  	[sflag:s21] =	ssyncadd.s32 $0xFFFFFF80  }
0x129: {  	_ =	swait.ge [sflag:s21], $0x80  }
0x12a: {  	[sflag:s21] =	ssyncset.done $0x0  }
0x12b: {  	[sflag:s21] =	ssyncadd.s32 $0xFFFFFF80  }
0x12c: {  	_ =	swait.ge [sflag:s21], $0x80  }
0x12d: {  	[sflag:s21] =	ssyncset.done $0x0  }
0x12e: {  	[sflag:s21] =	ssyncadd.s32 $0xFFFFFF80  }
0x12f: {  	_ =	swait.ge [sflag:s21], $0x80  }
0x130: {  	[sflag:s21] =	ssyncset.done $0x0  }
0x131: {  	[sflag:s21] =	ssyncadd.s32 $0xFFFFFF80  }
0x132: {  	_ =	swait.ge [sflag:s21], $0x80  }
0x133: {  	[sflag:s21] =	ssyncset.done $0x0  }
0x134: {  	[sflag:s21] =	ssyncadd.s32 $0xFFFFFF80  }
0x135: {  	_ =	swait.ge [sflag:s21], $0x80  }
0x136: {  	[sflag:s21] =	ssyncset.done $0x0  }
0x137: {  	[sflag:s21] =	ssyncadd.s32 $0xFFFFFF80  }
0x138: {  	_ =	swait.ge [sflag:s21], $0x80  }
0x139: {  	[sflag:s21] =	ssyncset.done $0x0  }
0x13a: {  	[sflag:s21] =	ssyncadd.s32 $0xFFFFFF80  }
0x13b: {  	s5 =	stileid.u32;
	[bflag:$0x0] =	sbarrier.arrive $0xFFFF  }
0x13c: {  	s5 =	sshll.u32 s5, $0x6;
	s16 =	rddreg [dreg:$0x4]  }
0x13d: {  	s5 =	sor.u32 $0x1C03, s5;
	s17 =	rddreg [dreg:$0xc];
	s14 =	sshrl.u32 s16, $0x3  }
0x13e: {  	[hbm:s17], [sflag:s5] =	dma.local [spmem:s14], $0x4F0  }
0x13f: {  	s17 =	simm.s32 $0x3  }
0x140: {  	_ =	swait.ge [sflag:s17], $0x4F0  }
0x141: {  	s5 =	rddreg [dreg:$0xe]  }
0x142: {  	s14 =	sadd.s32 $0x1, s5;
	s5 =	rddreg [dreg:$0xd]  }
0x143: {  	p0 =	sne.s32 s14, s5  }
.Ltmp1:
0x144: {  	_ = 	snop;
	(pc) =	sbr.rel @p0 .LBB2_1-.Ltmp1, $3  }
0x145: {  	_ =	sdelay $0x1  }
0x146: {  	[sflag:s17] =	ssyncset.done $0x0  }
0x147: {  	[sflag:s17] =	ssyncadd.s32 $0xFFFFFB10  }
0x148: {  	_ =	sfence.sel $0x180000  }
0x149: {  	[bflag:$0x0] =	sbarrier.arrive $0xFFFF  }
0x14a: {  	_ =	strace $0x90000047  }
0x14b: {  	s0 =	stileid.u32;
	[bflag:$0x2] =	sbarrier.arrive $0xFFFF  }
0x14c: {  	p0 =	sne.s32 s0, $0x0;
	s0 =	rddreg [dreg:$0x2]  }
0x14d: {  	s0 =	sadd.s32 @!p0 $0x100000, s0  }
0x14e: {  	[sflag:s0] =	ssyncadd.tile.s32 @!p0 $0x1;
	_ =	shalt  }
.Lfunc_end2:
_tile_overlayer_lowered:
.L_overlay_start_2:
0x14f: {  	(tag) =	ssettag $0x2  }
0x150: {  	s0 =	rddreg [dreg:$0x0];
	s2 =	stileid.u32  }
0x151: {  	s1 =	rddreg [dreg:$0x1];
	p0 =	sne.s32 s2, $0x0  }
0x152: {  	s3 =	rddreg [dreg:$0x2];
	[bflag:$0x3] =	sbarrier.arrive $0xFFFF;
	s2 =	simm.s32 @!p0 $0x1C03  }
0x153: {  	[timem:s3], [sflag:s2] =	dma.local @!p0 [hbm:s0], s1  }
0x154: {  	s0 =	simm.s32 @!p0 $0x3  }
0x155: {  	_ =	swait.ge @!p0 [sflag:s0], s1  }
0x156: {  	s1 =	ssub.s32 @!p0 $0x0, s1;
	[sflag:s0] =	ssyncset.done @!p0 $0x0  }
0x157: {  	[sflag:s0] =	ssyncadd.s32 @!p0 s1  }
0x158: {  	[bflag:$0x3] =	sbarrier.arrive $0xFFFF  }
0x159: {  	_ =	shalt  }

</sc_bundles>
